<compile_context>
chip_gen: v7x
topology: tpu7x:2x2x1
jax: 0.10.2.dev20260603
libtpu: 0.0.44.dev20260713+nightly
codegen_flags: <defaults>
</compile_context>

<pallas_src>
import functools

import jax
import jax.numpy as jnp
from jax import lax
from jax.experimental import pallas as pl
from jax.experimental.pallas import tpu as pltpu
from jax.experimental.pallas import tpu_sc as plsc

_NC = 2
_NS = 16
_NW = _NC * _NS

_CHUNK = 128
_NBUF = 4
_NQ = 2


@functools.partial(jax.jit, static_argnames=("b_total", "d"))
def _sc_gather(idx_flat, table, *, b_total, d):
    rows_per_w = b_total // _NW
    n_chunks = rows_per_w // _CHUNK
    n_outer = n_chunks // _NBUF

    mesh = plsc.VectorSubcoreMesh(
        core_axis_name="c", subcore_axis_name="s",
        num_cores=_NC, num_subcores=_NS,
    )

    @functools.partial(
        pl.kernel,
        out_type=jax.ShapeDtypeStruct((b_total, d), jnp.float32),
        mesh=mesh,
        scratch_types=[
            pltpu.VMEM((rows_per_w,), jnp.int32),
            [pltpu.VMEM((_CHUNK, d), jnp.float32)] * _NBUF,
            pltpu.VMEM_SHARED((_NS, _NQ, _CHUNK, d), jnp.float32),
            [pltpu.SemaphoreType.DMA] * _NBUF,
            [pltpu.SemaphoreType.DMA] * _NBUF,
            [pltpu.SemaphoreType.DMA] * _NQ,
        ],
    )
    def k(idx_hbm, table_hbm, out_hbm, idx_v, rows, spm, gsems, csems, dsems):
        sid = lax.axis_index("s")
        wid = sid * _NC + lax.axis_index("c")
        row_base = wid * rows_per_w

        pltpu.sync_copy(idx_hbm.at[pl.ds(row_base, rows_per_w)], idx_v)

        def fire_gather(g, b):
            pltpu.async_copy(
                table_hbm.at[idx_v.at[pl.ds(g * _CHUNK, _CHUNK)]],
                rows[b], gsems[b])

        def drain_gather(b):
            pltpu.make_async_copy(
                out_hbm.at[pl.ds(0, _CHUNK)], rows[b], gsems[b]).wait()

        def fire_copy(b, q):
            pltpu.async_copy(rows[b], spm.at[sid, q], csems[b])

        def drain_copy(b, q):
            pltpu.make_async_copy(rows[b], spm.at[sid, q], csems[b]).wait()

        def fire_dma(g, q):
            pltpu.async_copy(
                spm.at[sid, q],
                out_hbm.at[pl.ds(row_base + g * _CHUNK, _CHUNK)], dsems[q])

        def drain_dma(q):
            pltpu.make_async_copy(
                spm.at[sid, q], out_hbm.at[pl.ds(0, _CHUNK)], dsems[q]).wait()

        def step(p, b, carry):
            g = p * _NBUF + b
            b3 = (b - 3) % _NBUF
            q3 = (b - 3) % _NQ

            @pl.when(g >= 4)
            def _():
                drain_copy(b, b % _NQ)
                fire_dma(g - 4, b % _NQ)

            fire_gather(g, b)

            @pl.when(g >= 3)
            def _():
                @pl.when(g >= 5)
                def _():
                    drain_dma(q3)
                drain_gather(b3)
                fire_copy(b3, q3)

            return carry

        def outer(p, carry):
            for b in range(_NBUF):
                carry = step(p, b, carry)
            return carry

        lax.fori_loop(0, n_outer, outer, 0)

        n = n_chunks
        for gv in (n, n + 1, n + 2):
            drain_copy(gv % _NBUF, gv % _NQ)
            fire_dma(gv - 4, gv % _NQ)
            drain_dma((gv - 3) % _NQ)
            drain_gather((gv - 3) % _NBUF)
            fire_copy((gv - 3) % _NBUF, (gv - 3) % _NQ)
        drain_copy((n - 1) % _NBUF, (n - 1) % _NQ)
        fire_dma(n - 1, (n - 1) % _NQ)
        drain_dma((n - 2) % _NQ)
        drain_dma((n - 1) % _NQ)

    return k(idx_flat, table)


def kernel(x, table):
    b, s = x.shape
    v, d = table.shape
    out = _sc_gather(x.reshape(b * s), table, b_total=b * s, d=d)
    return out.reshape(b, s, d)

# --- scband reference (transcript-rebuilt; emitter-appended) ---
"""Pipeline reference for scband-positional-embedding-28243704938922 (READ-ONLY COPY).

The authoritative reference and input builder live on the scoring server;
editing this copy changes nothing except your own understanding.
"""

import jax, jax.numpy as jnp
import numpy as np

VOCAB = 100000
EMBED = 128
BATCH = 4096
SEQ = 200

def setup_inputs(seed: int = 0) -> dict:
    key = jax.random.key(seed)
    k1, k2 = jax.random.split(key)
    x = jax.random.randint(k1, (BATCH, SEQ), 0, VOCAB, dtype=jnp.int32)
    table = jax.random.normal(k2, (VOCAB, EMBED), dtype=jnp.float32) * 0.05
    return {"x": x, "table": table}

def reference(x, table):
    # Keras Embedding lookup: out[b, s, :] = table[x[b, s], :]
    # mask_zero=True only attaches a mask (x != 0) as metadata; the returned
    # embedding values are unaffected, so the faithful value computation is a gather.
    return jnp.take(table, x, axis=0)

if __name__ == "__main__":
    import jax
    _d = setup_inputs()
    print(jax.jit(kernel)(*tuple(_d.values())))

</pallas_src>

<mosaic_0001>
#map = affine_map<(d0, d1) -> (0)>
#map1 = affine_map<(d0, d1) -> (0, 0)>
module attributes {stable_mosaic.version = 14 : i64} {
  func.func @k(%arg0: i32, %arg1: i32, %arg2: memref<819200xi32, #tpu.memory_space<hbm>>, %arg3: memref<100000x128xf32, #tpu.memory_space<hbm>>, %arg4: memref<819200x128xf32, #tpu.memory_space<hbm>>, %arg5: memref<25600xi32, #tpu.memory_space<vmem>>, %arg6: memref<128x128xf32, #tpu.memory_space<vmem>>, %arg7: memref<128x128xf32, #tpu.memory_space<vmem>>, %arg8: memref<128x128xf32, #tpu.memory_space<vmem>>, %arg9: memref<128x128xf32, #tpu.memory_space<vmem>>, %arg10: memref<16x2x128x128xf32, #tpu.memory_space<vmem_shared>>, %arg11: memref<!tpu.dma_semaphore, #tpu.memory_space<semaphore_mem>>, %arg12: memref<!tpu.dma_semaphore, #tpu.memory_space<semaphore_mem>>, %arg13: memref<!tpu.dma_semaphore, #tpu.memory_space<semaphore_mem>>, %arg14: memref<!tpu.dma_semaphore, #tpu.memory_space<semaphore_mem>>, %arg15: memref<!tpu.dma_semaphore, #tpu.memory_space<semaphore_mem>>, %arg16: memref<!tpu.dma_semaphore, #tpu.memory_space<semaphore_mem>>, %arg17: memref<!tpu.dma_semaphore, #tpu.memory_space<semaphore_mem>>, %arg18: memref<!tpu.dma_semaphore, #tpu.memory_space<semaphore_mem>>, %arg19: memref<!tpu.dma_semaphore, #tpu.memory_space<semaphore_mem>>, %arg20: memref<!tpu.dma_semaphore, #tpu.memory_space<semaphore_mem>>) attributes {dimension_semantics = [#tpu.dimension_semantics<core_parallel>, #tpu.dimension_semantics<subcore_parallel>], iteration_bounds = array<i64: 2, 16>, scalar_prefetch = 0 : i64, scratch_operands = 16 : i64, tpu.core_type = #tpu.core_type<sc_vector_subcore>, window_params = [{transform_indices = #map}, {transform_indices = #map1}, {transform_indices = #map1}]} {
    %mul3A = arith.constant 2 : i32
    %mul3A_0 = arith.muli %arg1, %mul3A : i32
    %add3A = arith.addi %mul3A_0, %arg0 : i32
    %mul3A_1 = arith.constant 25600 : i32
    %mul3A_2 = arith.muli %add3A, %mul3A_1 : i32
    "tpu.region"() ({
      %run_scoped3A = tpu.sem_alloc : memref<!tpu.dma_semaphore, #tpu.memory_space<semaphore_mem>>
      %dma_start3A_163 = tpu.memref_slice %arg2[%mul3A_2] : memref<819200xi32, #tpu.memory_space<hbm>> -> memref<25600xi32, #tpu.memory_space<hbm>>
      %dma_start3A_164 = tpu.memref_slice %arg2[%mul3A_2] : memref<819200xi32, #tpu.memory_space<hbm>> -> memref<25600xi32, #tpu.memory_space<hbm>>
      tpu.enqueue_dma source(%dma_start3A_164 : memref<25600xi32, #tpu.memory_space<hbm>>) target(%arg5 : memref<25600xi32, #tpu.memory_space<vmem>>) target_semaphore(%run_scoped3A : memref<!tpu.dma_semaphore, #tpu.memory_space<semaphore_mem>>)
      %dma_wait3A_165 = tpu.memref_slice %arg2[%mul3A_2] : memref<819200xi32, #tpu.memory_space<hbm>> -> memref<25600xi32, #tpu.memory_space<hbm>>
      %dma_wait3A_166 = tpu.memref_slice %arg2[%mul3A_2] : memref<819200xi32, #tpu.memory_space<hbm>> -> memref<25600xi32, #tpu.memory_space<hbm>>
      tpu.wait_dma2 semaphore(%run_scoped3A : memref<!tpu.dma_semaphore, #tpu.memory_space<semaphore_mem>>) src(%dma_wait3A_166 : memref<25600xi32, #tpu.memory_space<hbm>>) dst(%arg5 : memref<25600xi32, #tpu.memory_space<vmem>>)
      tpu.yield
    }) : () -> ()
    %scan3A = arith.constant 0 : i32
    %scan3A_3 = arith.constant 0 : i32
    %scan3A_4 = arith.constant 50 : i32
    %scan3A_5 = arith.addi %scan3A_3, %scan3A_4 : i32
    %scan3A_6 = arith.constant 1 : i32
    scf.for %scan3A_163 = %scan3A_3 to %scan3A_5 step %scan3A_6  : i32 {
      %mul3A_164 = arith.constant 4 : i32
      %mul3A_165 = arith.muli %scan3A_163, %mul3A_164 : i32
      %add3A_166 = arith.constant 0 : i32
      %add3A_167 = arith.addi %mul3A_165, %add3A_166 : i32
      %ge3A = arith.constant 4 : i32
      %ge3A_168 = arith.cmpi sge, %add3A_167, %ge3A : i32
      %convert_element_type3A = arith.extui %ge3A_168 : i1 to i32
      %cond3A = arith.constant 0 : i32
      %cond3A_169 = arith.cmpi ne, %convert_element_type3A, %cond3A : i32
      scf.if %cond3A_169 {
        %dma_wait3A_241 = arith.constant 0 : i32
        %dma_wait3A_242 = arith.constant 0 : i32
        %dma_wait3A_243 = arith.constant 0 : i32
        %dma_wait3A_244 = tpu.memref_slice %arg10[%arg1, %dma_wait3A_241, %dma_wait3A_242, %dma_wait3A_243] : memref<16x2x128x128xf32, #tpu.memory_space<vmem_shared>> -> memref<1x1x128x128xf32, #tpu.memory_space<vmem_shared>>
        %dma_wait3A_245 = tpu.memref_squeeze %dma_wait3A_244 : memref<1x1x128x128xf32, #tpu.memory_space<vmem_shared>> -> memref<128x128xf32, #tpu.memory_space<vmem_shared>>
        %dma_wait3A_246 = arith.constant 0 : i32
        %dma_wait3A_247 = arith.constant 0 : i32
        %dma_wait3A_248 = tpu.memref_slice %arg10[%arg1, %dma_wait3A_241, %dma_wait3A_246, %dma_wait3A_247] : memref<16x2x128x128xf32, #tpu.memory_space<vmem_shared>> -> memref<1x1x128x128xf32, #tpu.memory_space<vmem_shared>>
        %dma_wait3A_249 = tpu.memref_squeeze %dma_wait3A_248 : memref<1x1x128x128xf32, #tpu.memory_space<vmem_shared>> -> memref<128x128xf32, #tpu.memory_space<vmem_shared>>
        tpu.wait_dma2 semaphore(%arg15 : memref<!tpu.dma_semaphore, #tpu.memory_space<semaphore_mem>>) src(%arg6 : memref<128x128xf32, #tpu.memory_space<vmem>>) dst(%dma_wait3A_249 : memref<128x128xf32, #tpu.memory_space<vmem_shared>>)
        %sub3A = arith.constant 4 : i32
        %sub3A_250 = arith.subi %add3A_167, %sub3A : i32
        %mul3A_251 = arith.constant 128 : i32
        %mul3A_252 = arith.muli %sub3A_250, %mul3A_251 : i32
        %add3A_253 = arith.addi %mul3A_2, %mul3A_252 : i32
        %dma_start3A_254 = arith.constant 0 : i32
        %dma_start3A_255 = arith.constant 0 : i32
        %dma_start3A_256 = tpu.memref_slice %arg4[%add3A_253, %dma_start3A_255] : memref<819200x128xf32, #tpu.memory_space<hbm>> -> memref<128x128xf32, #tpu.memory_space<hbm>>
        %dma_start3A_257 = arith.constant 0 : i32
        %dma_start3A_258 = arith.constant 0 : i32
        %dma_start3A_259 = tpu.memref_slice %arg10[%arg1, %dma_start3A_254, %dma_start3A_257, %dma_start3A_258] : memref<16x2x128x128xf32, #tpu.memory_space<vmem_shared>> -> memref<1x1x128x128xf32, #tpu.memory_space<vmem_shared>>
        %dma_start3A_260 = tpu.memref_squeeze %dma_start3A_259 : memref<1x1x128x128xf32, #tpu.memory_space<vmem_shared>> -> memref<128x128xf32, #tpu.memory_space<vmem_shared>>
        tpu.enqueue_dma source(%dma_start3A_260 : memref<128x128xf32, #tpu.memory_space<vmem_shared>>) target(%dma_start3A_256 : memref<128x128xf32, #tpu.memory_space<hbm>>) target_semaphore(%arg19 : memref<!tpu.dma_semaphore, #tpu.memory_space<semaphore_mem>>)
      } else {
      }
      %mul3A_170 = arith.constant 128 : i32
      %mul3A_171 = arith.muli %add3A_167, %mul3A_170 : i32
      %dma_start3A_172 = tpu.memref_slice %arg5[%mul3A_171] : memref<25600xi32, #tpu.memory_space<vmem>> -> memref<128xi32, #tpu.memory_space<vmem>>
      %dma_start3A_173 = arith.constant 0 : i32
      %dma_start3A_174 = arith.constant 0 : i32
      %dma_start3A_175 = tpu.memref_slice %arg3[%dma_start3A_173, %dma_start3A_174] : memref<100000x128xf32, #tpu.memory_space<hbm>> -> memref<100000x128xf32, #tpu.memory_space<hbm>>
      tpu.enqueue_indirect_dma source(%dma_start3A_175 : memref<100000x128xf32, #tpu.memory_space<hbm>>) target(%arg6 : memref<128x128xf32, #tpu.memory_space<vmem>>) offsets(%dma_start3A_172 : memref<128xi32, #tpu.memory_space<vmem>>) semaphore(%arg11 : memref<!tpu.dma_semaphore, #tpu.memory_space<semaphore_mem>>)
      %ge3A_176 = arith.constant 3 : i32
      %ge3A_177 = arith.cmpi sge, %add3A_167, %ge3A_176 : i32
      %convert_element_type3A_178 = arith.extui %ge3A_177 : i1 to i32
      %cond3A_179 = arith.constant 0 : i32
      %cond3A_180 = arith.cmpi ne, %convert_element_type3A_178, %cond3A_179 : i32
      scf.if %cond3A_180 {
        %ge3A_241 = arith.constant 5 : i32
        %ge3A_242 = arith.cmpi sge, %add3A_167, %ge3A_241 : i32
        %convert_element_type3A_243 = arith.extui %ge3A_242 : i1 to i32
        %cond3A_244 = arith.constant 0 : i32
        %cond3A_245 = arith.cmpi ne, %convert_element_type3A_243, %cond3A_244 : i32
        scf.if %cond3A_245 {
          %dma_wait3A_261 = arith.constant 1 : i32
          %dma_wait3A_262 = arith.constant 0 : i32
          %dma_wait3A_263 = arith.constant 0 : i32
          %dma_wait3A_264 = tpu.memref_slice %arg4[%dma_wait3A_262, %dma_wait3A_263] : memref<819200x128xf32, #tpu.memory_space<hbm>> -> memref<128x128xf32, #tpu.memory_space<hbm>>
          %dma_wait3A_265 = arith.constant 0 : i32
          %dma_wait3A_266 = arith.constant 0 : i32
          %dma_wait3A_267 = tpu.memref_slice %arg10[%arg1, %dma_wait3A_261, %dma_wait3A_265, %dma_wait3A_266] : memref<16x2x128x128xf32, #tpu.memory_space<vmem_shared>> -> memref<1x1x128x128xf32, #tpu.memory_space<vmem_shared>>
          %dma_wait3A_268 = tpu.memref_squeeze %dma_wait3A_267 : memref<1x1x128x128xf32, #tpu.memory_space<vmem_shared>> -> memref<128x128xf32, #tpu.memory_space<vmem_shared>>
          tpu.wait_dma2 semaphore(%arg20 : memref<!tpu.dma_semaphore, #tpu.memory_space<semaphore_mem>>) src(%dma_wait3A_268 : memref<128x128xf32, #tpu.memory_space<vmem_shared>>) dst(%dma_wait3A_264 : memref<128x128xf32, #tpu.memory_space<hbm>>)
        } else {
        }
        %dma_wait3A_246 = arith.constant 0 : i32
        %dma_wait3A_247 = arith.constant 0 : i32
        %dma_wait3A_248 = tpu.memref_slice %arg4[%dma_wait3A_246, %dma_wait3A_247] : memref<819200x128xf32, #tpu.memory_space<hbm>> -> memref<128x128xf32, #tpu.memory_space<hbm>>
        %dma_wait3A_249 = arith.constant 0 : i32
        %dma_wait3A_250 = arith.constant 0 : i32
        %dma_wait3A_251 = tpu.memref_slice %arg4[%dma_wait3A_249, %dma_wait3A_250] : memref<819200x128xf32, #tpu.memory_space<hbm>> -> memref<128x128xf32, #tpu.memory_space<hbm>>
        tpu.wait_dma2 semaphore(%arg12 : memref<!tpu.dma_semaphore, #tpu.memory_space<semaphore_mem>>) src(%dma_wait3A_251 : memref<128x128xf32, #tpu.memory_space<hbm>>) dst(%arg7 : memref<128x128xf32, #tpu.memory_space<vmem>>)
        %dma_start3A_252 = arith.constant 1 : i32
        %dma_start3A_253 = arith.constant 0 : i32
        %dma_start3A_254 = arith.constant 0 : i32
        %dma_start3A_255 = tpu.memref_slice %arg10[%arg1, %dma_start3A_252, %dma_start3A_253, %dma_start3A_254] : memref<16x2x128x128xf32, #tpu.memory_space<vmem_shared>> -> memref<1x1x128x128xf32, #tpu.memory_space<vmem_shared>>
        %dma_start3A_256 = tpu.memref_squeeze %dma_start3A_255 : memref<1x1x128x128xf32, #tpu.memory_space<vmem_shared>> -> memref<128x128xf32, #tpu.memory_space<vmem_shared>>
        %dma_start3A_257 = arith.constant 0 : i32
        %dma_start3A_258 = arith.constant 0 : i32
        %dma_start3A_259 = tpu.memref_slice %arg10[%arg1, %dma_start3A_252, %dma_start3A_257, %dma_start3A_258] : memref<16x2x128x128xf32, #tpu.memory_space<vmem_shared>> -> memref<1x1x128x128xf32, #tpu.memory_space<vmem_shared>>
        %dma_start3A_260 = tpu.memref_squeeze %dma_start3A_259 : memref<1x1x128x128xf32, #tpu.memory_space<vmem_shared>> -> memref<128x128xf32, #tpu.memory_space<vmem_shared>>
        tpu.enqueue_dma source(%arg7 : memref<128x128xf32, #tpu.memory_space<vmem>>) target(%dma_start3A_260 : memref<128x128xf32, #tpu.memory_space<vmem_shared>>) target_semaphore(%arg16 : memref<!tpu.dma_semaphore, #tpu.memory_space<semaphore_mem>>)
      } else {
      }
      %mul3A_181 = arith.constant 4 : i32
      %mul3A_182 = arith.muli %scan3A_163, %mul3A_181 : i32
      %add3A_183 = arith.constant 1 : i32
      %add3A_184 = arith.addi %mul3A_182, %add3A_183 : i32
      %ge3A_185 = arith.constant 4 : i32
      %ge3A_186 = arith.cmpi sge, %add3A_184, %ge3A_185 : i32
      %convert_element_type3A_187 = arith.extui %ge3A_186 : i1 to i32
      %cond3A_188 = arith.constant 0 : i32
      %cond3A_189 = arith.cmpi ne, %convert_element_type3A_187, %cond3A_188 : i32
      scf.if %cond3A_189 {
        %dma_wait3A_241 = arith.constant 1 : i32
        %dma_wait3A_242 = arith.constant 0 : i32
        %dma_wait3A_243 = arith.constant 0 : i32
        %dma_wait3A_244 = tpu.memref_slice %arg10[%arg1, %dma_wait3A_241, %dma_wait3A_242, %dma_wait3A_243] : memref<16x2x128x128xf32, #tpu.memory_space<vmem_shared>> -> memref<1x1x128x128xf32, #tpu.memory_space<vmem_shared>>
        %dma_wait3A_245 = tpu.memref_squeeze %dma_wait3A_244 : memref<1x1x128x128xf32, #tpu.memory_space<vmem_shared>> -> memref<128x128xf32, #tpu.memory_space<vmem_shared>>
        %dma_wait3A_246 = arith.constant 0 : i32
        %dma_wait3A_247 = arith.constant 0 : i32
        %dma_wait3A_248 = tpu.memref_slice %arg10[%arg1, %dma_wait3A_241, %dma_wait3A_246, %dma_wait3A_247] : memref<16x2x128x128xf32, #tpu.memory_space<vmem_shared>> -> memref<1x1x128x128xf32, #tpu.memory_space<vmem_shared>>
        %dma_wait3A_249 = tpu.memref_squeeze %dma_wait3A_248 : memref<1x1x128x128xf32, #tpu.memory_space<vmem_shared>> -> memref<128x128xf32, #tpu.memory_space<vmem_shared>>
        tpu.wait_dma2 semaphore(%arg16 : memref<!tpu.dma_semaphore, #tpu.memory_space<semaphore_mem>>) src(%arg7 : memref<128x128xf32, #tpu.memory_space<vmem>>) dst(%dma_wait3A_249 : memref<128x128xf32, #tpu.memory_space<vmem_shared>>)
        %sub3A = arith.constant 4 : i32
        %sub3A_250 = arith.subi %add3A_184, %sub3A : i32
        %mul3A_251 = arith.constant 128 : i32
        %mul3A_252 = arith.muli %sub3A_250, %mul3A_251 : i32
        %add3A_253 = arith.addi %mul3A_2, %mul3A_252 : i32
        %dma_start3A_254 = arith.constant 1 : i32
        %dma_start3A_255 = arith.constant 0 : i32
        %dma_start3A_256 = tpu.memref_slice %arg4[%add3A_253, %dma_start3A_255] : memref<819200x128xf32, #tpu.memory_space<hbm>> -> memref<128x128xf32, #tpu.memory_space<hbm>>
        %dma_start3A_257 = arith.constant 0 : i32
        %dma_start3A_258 = arith.constant 0 : i32
        %dma_start3A_259 = tpu.memref_slice %arg10[%arg1, %dma_start3A_254, %dma_start3A_257, %dma_start3A_258] : memref<16x2x128x128xf32, #tpu.memory_space<vmem_shared>> -> memref<1x1x128x128xf32, #tpu.memory_space<vmem_shared>>
        %dma_start3A_260 = tpu.memref_squeeze %dma_start3A_259 : memref<1x1x128x128xf32, #tpu.memory_space<vmem_shared>> -> memref<128x128xf32, #tpu.memory_space<vmem_shared>>
        tpu.enqueue_dma source(%dma_start3A_260 : memref<128x128xf32, #tpu.memory_space<vmem_shared>>) target(%dma_start3A_256 : memref<128x128xf32, #tpu.memory_space<hbm>>) target_semaphore(%arg20 : memref<!tpu.dma_semaphore, #tpu.memory_space<semaphore_mem>>)
      } else {
      }
      %mul3A_190 = arith.constant 128 : i32
      %mul3A_191 = arith.muli %add3A_184, %mul3A_190 : i32
      %dma_start3A_192 = tpu.memref_slice %arg5[%mul3A_191] : memref<25600xi32, #tpu.memory_space<vmem>> -> memref<128xi32, #tpu.memory_space<vmem>>
      %dma_start3A_193 = arith.constant 0 : i32
      %dma_start3A_194 = arith.constant 0 : i32
      %dma_start3A_195 = tpu.memref_slice %arg3[%dma_start3A_193, %dma_start3A_194] : memref<100000x128xf32, #tpu.memory_space<hbm>> -> memref<100000x128xf32, #tpu.memory_space<hbm>>
      tpu.enqueue_indirect_dma source(%dma_start3A_195 : memref<100000x128xf32, #tpu.memory_space<hbm>>) target(%arg7 : memref<128x128xf32, #tpu.memory_space<vmem>>) offsets(%dma_start3A_192 : memref<128xi32, #tpu.memory_space<vmem>>) semaphore(%arg12 : memref<!tpu.dma_semaphore, #tpu.memory_space<semaphore_mem>>)
      %ge3A_196 = arith.constant 3 : i32
      %ge3A_197 = arith.cmpi sge, %add3A_184, %ge3A_196 : i32
      %convert_element_type3A_198 = arith.extui %ge3A_197 : i1 to i32
      %cond3A_199 = arith.constant 0 : i32
      %cond3A_200 = arith.cmpi ne, %convert_element_type3A_198, %cond3A_199 : i32
      scf.if %cond3A_200 {
        %ge3A_241 = arith.constant 5 : i32
        %ge3A_242 = arith.cmpi sge, %add3A_184, %ge3A_241 : i32
        %convert_element_type3A_243 = arith.extui %ge3A_242 : i1 to i32
        %cond3A_244 = arith.constant 0 : i32
        %cond3A_245 = arith.cmpi ne, %convert_element_type3A_243, %cond3A_244 : i32
        scf.if %cond3A_245 {
          %dma_wait3A_261 = arith.constant 0 : i32
          %dma_wait3A_262 = arith.constant 0 : i32
          %dma_wait3A_263 = arith.constant 0 : i32
          %dma_wait3A_264 = tpu.memref_slice %arg4[%dma_wait3A_262, %dma_wait3A_263] : memref<819200x128xf32, #tpu.memory_space<hbm>> -> memref<128x128xf32, #tpu.memory_space<hbm>>
          %dma_wait3A_265 = arith.constant 0 : i32
          %dma_wait3A_266 = arith.constant 0 : i32
          %dma_wait3A_267 = tpu.memref_slice %arg10[%arg1, %dma_wait3A_261, %dma_wait3A_265, %dma_wait3A_266] : memref<16x2x128x128xf32, #tpu.memory_space<vmem_shared>> -> memref<1x1x128x128xf32, #tpu.memory_space<vmem_shared>>
          %dma_wait3A_268 = tpu.memref_squeeze %dma_wait3A_267 : memref<1x1x128x128xf32, #tpu.memory_space<vmem_shared>> -> memref<128x128xf32, #tpu.memory_space<vmem_shared>>
          tpu.wait_dma2 semaphore(%arg19 : memref<!tpu.dma_semaphore, #tpu.memory_space<semaphore_mem>>) src(%dma_wait3A_268 : memref<128x128xf32, #tpu.memory_space<vmem_shared>>) dst(%dma_wait3A_264 : memref<128x128xf32, #tpu.memory_space<hbm>>)
        } else {
        }
        %dma_wait3A_246 = arith.constant 0 : i32
        %dma_wait3A_247 = arith.constant 0 : i32
        %dma_wait3A_248 = tpu.memref_slice %arg4[%dma_wait3A_246, %dma_wait3A_247] : memref<819200x128xf32, #tpu.memory_space<hbm>> -> memref<128x128xf32, #tpu.memory_space<hbm>>
        %dma_wait3A_249 = arith.constant 0 : i32
        %dma_wait3A_250 = arith.constant 0 : i32
        %dma_wait3A_251 = tpu.memref_slice %arg4[%dma_wait3A_249, %dma_wait3A_250] : memref<819200x128xf32, #tpu.memory_space<hbm>> -> memref<128x128xf32, #tpu.memory_space<hbm>>
        tpu.wait_dma2 semaphore(%arg13 : memref<!tpu.dma_semaphore, #tpu.memory_space<semaphore_mem>>) src(%dma_wait3A_251 : memref<128x128xf32, #tpu.memory_space<hbm>>) dst(%arg8 : memref<128x128xf32, #tpu.memory_space<vmem>>)
        %dma_start3A_252 = arith.constant 0 : i32
        %dma_start3A_253 = arith.constant 0 : i32
        %dma_start3A_254 = arith.constant 0 : i32
        %dma_start3A_255 = tpu.memref_slice %arg10[%arg1, %dma_start3A_252, %dma_start3A_253, %dma_start3A_254] : memref<16x2x128x128xf32, #tpu.memory_space<vmem_shared>> -> memref<1x1x128x128xf32, #tpu.memory_space<vmem_shared>>
        %dma_start3A_256 = tpu.memref_squeeze %dma_start3A_255 : memref<1x1x128x128xf32, #tpu.memory_space<vmem_shared>> -> memref<128x128xf32, #tpu.memory_space<vmem_shared>>
        %dma_start3A_257 = arith.constant 0 : i32
        %dma_start3A_258 = arith.constant 0 : i32
        %dma_start3A_259 = tpu.memref_slice %arg10[%arg1, %dma_start3A_252, %dma_start3A_257, %dma_start3A_258] : memref<16x2x128x128xf32, #tpu.memory_space<vmem_shared>> -> memref<1x1x128x128xf32, #tpu.memory_space<vmem_shared>>
        %dma_start3A_260 = tpu.memref_squeeze %dma_start3A_259 : memref<1x1x128x128xf32, #tpu.memory_space<vmem_shared>> -> memref<128x128xf32, #tpu.memory_space<vmem_shared>>
        tpu.enqueue_dma source(%arg8 : memref<128x128xf32, #tpu.memory_space<vmem>>) target(%dma_start3A_260 : memref<128x128xf32, #tpu.memory_space<vmem_shared>>) target_semaphore(%arg17 : memref<!tpu.dma_semaphore, #tpu.memory_space<semaphore_mem>>)
      } else {
      }
      %mul3A_201 = arith.constant 4 : i32
      %mul3A_202 = arith.muli %scan3A_163, %mul3A_201 : i32
      %add3A_203 = arith.constant 2 : i32
      %add3A_204 = arith.addi %mul3A_202, %add3A_203 : i32
      %ge3A_205 = arith.constant 4 : i32
      %ge3A_206 = arith.cmpi sge, %add3A_204, %ge3A_205 : i32
      %convert_element_type3A_207 = arith.extui %ge3A_206 : i1 to i32
      %cond3A_208 = arith.constant 0 : i32
      %cond3A_209 = arith.cmpi ne, %convert_element_type3A_207, %cond3A_208 : i32
      scf.if %cond3A_209 {
        %dma_wait3A_241 = arith.constant 0 : i32
        %dma_wait3A_242 = arith.constant 0 : i32
        %dma_wait3A_243 = arith.constant 0 : i32
        %dma_wait3A_244 = tpu.memref_slice %arg10[%arg1, %dma_wait3A_241, %dma_wait3A_242, %dma_wait3A_243] : memref<16x2x128x128xf32, #tpu.memory_space<vmem_shared>> -> memref<1x1x128x128xf32, #tpu.memory_space<vmem_shared>>
        %dma_wait3A_245 = tpu.memref_squeeze %dma_wait3A_244 : memref<1x1x128x128xf32, #tpu.memory_space<vmem_shared>> -> memref<128x128xf32, #tpu.memory_space<vmem_shared>>
        %dma_wait3A_246 = arith.constant 0 : i32
        %dma_wait3A_247 = arith.constant 0 : i32
        %dma_wait3A_248 = tpu.memref_slice %arg10[%arg1, %dma_wait3A_241, %dma_wait3A_246, %dma_wait3A_247] : memref<16x2x128x128xf32, #tpu.memory_space<vmem_shared>> -> memref<1x1x128x128xf32, #tpu.memory_space<vmem_shared>>
        %dma_wait3A_249 = tpu.memref_squeeze %dma_wait3A_248 : memref<1x1x128x128xf32, #tpu.memory_space<vmem_shared>> -> memref<128x128xf32, #tpu.memory_space<vmem_shared>>
        tpu.wait_dma2 semaphore(%arg17 : memref<!tpu.dma_semaphore, #tpu.memory_space<semaphore_mem>>) src(%arg8 : memref<128x128xf32, #tpu.memory_space<vmem>>) dst(%dma_wait3A_249 : memref<128x128xf32, #tpu.memory_space<vmem_shared>>)
        %sub3A = arith.constant 4 : i32
        %sub3A_250 = arith.subi %add3A_204, %sub3A : i32
        %mul3A_251 = arith.constant 128 : i32
        %mul3A_252 = arith.muli %sub3A_250, %mul3A_251 : i32
        %add3A_253 = arith.addi %mul3A_2, %mul3A_252 : i32
        %dma_start3A_254 = arith.constant 0 : i32
        %dma_start3A_255 = arith.constant 0 : i32
        %dma_start3A_256 = tpu.memref_slice %arg4[%add3A_253, %dma_start3A_255] : memref<819200x128xf32, #tpu.memory_space<hbm>> -> memref<128x128xf32, #tpu.memory_space<hbm>>
        %dma_start3A_257 = arith.constant 0 : i32
        %dma_start3A_258 = arith.constant 0 : i32
        %dma_start3A_259 = tpu.memref_slice %arg10[%arg1, %dma_start3A_254, %dma_start3A_257, %dma_start3A_258] : memref<16x2x128x128xf32, #tpu.memory_space<vmem_shared>> -> memref<1x1x128x128xf32, #tpu.memory_space<vmem_shared>>
        %dma_start3A_260 = tpu.memref_squeeze %dma_start3A_259 : memref<1x1x128x128xf32, #tpu.memory_space<vmem_shared>> -> memref<128x128xf32, #tpu.memory_space<vmem_shared>>
        tpu.enqueue_dma source(%dma_start3A_260 : memref<128x128xf32, #tpu.memory_space<vmem_shared>>) target(%dma_start3A_256 : memref<128x128xf32, #tpu.memory_space<hbm>>) target_semaphore(%arg19 : memref<!tpu.dma_semaphore, #tpu.memory_space<semaphore_mem>>)
      } else {
      }
      %mul3A_210 = arith.constant 128 : i32
      %mul3A_211 = arith.muli %add3A_204, %mul3A_210 : i32
      %dma_start3A_212 = tpu.memref_slice %arg5[%mul3A_211] : memref<25600xi32, #tpu.memory_space<vmem>> -> memref<128xi32, #tpu.memory_space<vmem>>
      %dma_start3A_213 = arith.constant 0 : i32
      %dma_start3A_214 = arith.constant 0 : i32
      %dma_start3A_215 = tpu.memref_slice %arg3[%dma_start3A_213, %dma_start3A_214] : memref<100000x128xf32, #tpu.memory_space<hbm>> -> memref<100000x128xf32, #tpu.memory_space<hbm>>
      tpu.enqueue_indirect_dma source(%dma_start3A_215 : memref<100000x128xf32, #tpu.memory_space<hbm>>) target(%arg8 : memref<128x128xf32, #tpu.memory_space<vmem>>) offsets(%dma_start3A_212 : memref<128xi32, #tpu.memory_space<vmem>>) semaphore(%arg13 : memref<!tpu.dma_semaphore, #tpu.memory_space<semaphore_mem>>)
      %ge3A_216 = arith.constant 3 : i32
      %ge3A_217 = arith.cmpi sge, %add3A_204, %ge3A_216 : i32
      %convert_element_type3A_218 = arith.extui %ge3A_217 : i1 to i32
      %cond3A_219 = arith.constant 0 : i32
      %cond3A_220 = arith.cmpi ne, %convert_element_type3A_218, %cond3A_219 : i32
      scf.if %cond3A_220 {
        %ge3A_241 = arith.constant 5 : i32
        %ge3A_242 = arith.cmpi sge, %add3A_204, %ge3A_241 : i32
        %convert_element_type3A_243 = arith.extui %ge3A_242 : i1 to i32
        %cond3A_244 = arith.constant 0 : i32
        %cond3A_245 = arith.cmpi ne, %convert_element_type3A_243, %cond3A_244 : i32
        scf.if %cond3A_245 {
          %dma_wait3A_261 = arith.constant 1 : i32
          %dma_wait3A_262 = arith.constant 0 : i32
          %dma_wait3A_263 = arith.constant 0 : i32
          %dma_wait3A_264 = tpu.memref_slice %arg4[%dma_wait3A_262, %dma_wait3A_263] : memref<819200x128xf32, #tpu.memory_space<hbm>> -> memref<128x128xf32, #tpu.memory_space<hbm>>
          %dma_wait3A_265 = arith.constant 0 : i32
          %dma_wait3A_266 = arith.constant 0 : i32
          %dma_wait3A_267 = tpu.memref_slice %arg10[%arg1, %dma_wait3A_261, %dma_wait3A_265, %dma_wait3A_266] : memref<16x2x128x128xf32, #tpu.memory_space<vmem_shared>> -> memref<1x1x128x128xf32, #tpu.memory_space<vmem_shared>>
          %dma_wait3A_268 = tpu.memref_squeeze %dma_wait3A_267 : memref<1x1x128x128xf32, #tpu.memory_space<vmem_shared>> -> memref<128x128xf32, #tpu.memory_space<vmem_shared>>
          tpu.wait_dma2 semaphore(%arg20 : memref<!tpu.dma_semaphore, #tpu.memory_space<semaphore_mem>>) src(%dma_wait3A_268 : memref<128x128xf32, #tpu.memory_space<vmem_shared>>) dst(%dma_wait3A_264 : memref<128x128xf32, #tpu.memory_space<hbm>>)
        } else {
        }
        %dma_wait3A_246 = arith.constant 0 : i32
        %dma_wait3A_247 = arith.constant 0 : i32
        %dma_wait3A_248 = tpu.memref_slice %arg4[%dma_wait3A_246, %dma_wait3A_247] : memref<819200x128xf32, #tpu.memory_space<hbm>> -> memref<128x128xf32, #tpu.memory_space<hbm>>
        %dma_wait3A_249 = arith.constant 0 : i32
        %dma_wait3A_250 = arith.constant 0 : i32
        %dma_wait3A_251 = tpu.memref_slice %arg4[%dma_wait3A_249, %dma_wait3A_250] : memref<819200x128xf32, #tpu.memory_space<hbm>> -> memref<128x128xf32, #tpu.memory_space<hbm>>
        tpu.wait_dma2 semaphore(%arg14 : memref<!tpu.dma_semaphore, #tpu.memory_space<semaphore_mem>>) src(%dma_wait3A_251 : memref<128x128xf32, #tpu.memory_space<hbm>>) dst(%arg9 : memref<128x128xf32, #tpu.memory_space<vmem>>)
        %dma_start3A_252 = arith.constant 1 : i32
        %dma_start3A_253 = arith.constant 0 : i32
        %dma_start3A_254 = arith.constant 0 : i32
        %dma_start3A_255 = tpu.memref_slice %arg10[%arg1, %dma_start3A_252, %dma_start3A_253, %dma_start3A_254] : memref<16x2x128x128xf32, #tpu.memory_space<vmem_shared>> -> memref<1x1x128x128xf32, #tpu.memory_space<vmem_shared>>
        %dma_start3A_256 = tpu.memref_squeeze %dma_start3A_255 : memref<1x1x128x128xf32, #tpu.memory_space<vmem_shared>> -> memref<128x128xf32, #tpu.memory_space<vmem_shared>>
        %dma_start3A_257 = arith.constant 0 : i32
        %dma_start3A_258 = arith.constant 0 : i32
        %dma_start3A_259 = tpu.memref_slice %arg10[%arg1, %dma_start3A_252, %dma_start3A_257, %dma_start3A_258] : memref<16x2x128x128xf32, #tpu.memory_space<vmem_shared>> -> memref<1x1x128x128xf32, #tpu.memory_space<vmem_shared>>
        %dma_start3A_260 = tpu.memref_squeeze %dma_start3A_259 : memref<1x1x128x128xf32, #tpu.memory_space<vmem_shared>> -> memref<128x128xf32, #tpu.memory_space<vmem_shared>>
        tpu.enqueue_dma source(%arg9 : memref<128x128xf32, #tpu.memory_space<vmem>>) target(%dma_start3A_260 : memref<128x128xf32, #tpu.memory_space<vmem_shared>>) target_semaphore(%arg18 : memref<!tpu.dma_semaphore, #tpu.memory_space<semaphore_mem>>)
      } else {
      }
      %mul3A_221 = arith.constant 4 : i32
      %mul3A_222 = arith.muli %scan3A_163, %mul3A_221 : i32
      %add3A_223 = arith.constant 3 : i32
      %add3A_224 = arith.addi %mul3A_222, %add3A_223 : i32
      %ge3A_225 = arith.constant 4 : i32
      %ge3A_226 = arith.cmpi sge, %add3A_224, %ge3A_225 : i32
      %convert_element_type3A_227 = arith.extui %ge3A_226 : i1 to i32
      %cond3A_228 = arith.constant 0 : i32
      %cond3A_229 = arith.cmpi ne, %convert_element_type3A_227, %cond3A_228 : i32
      scf.if %cond3A_229 {
        %dma_wait3A_241 = arith.constant 1 : i32
        %dma_wait3A_242 = arith.constant 0 : i32
        %dma_wait3A_243 = arith.constant 0 : i32
        %dma_wait3A_244 = tpu.memref_slice %arg10[%arg1, %dma_wait3A_241, %dma_wait3A_242, %dma_wait3A_243] : memref<16x2x128x128xf32, #tpu.memory_space<vmem_shared>> -> memref<1x1x128x128xf32, #tpu.memory_space<vmem_shared>>
        %dma_wait3A_245 = tpu.memref_squeeze %dma_wait3A_244 : memref<1x1x128x128xf32, #tpu.memory_space<vmem_shared>> -> memref<128x128xf32, #tpu.memory_space<vmem_shared>>
        %dma_wait3A_246 = arith.constant 0 : i32
        %dma_wait3A_247 = arith.constant 0 : i32
        %dma_wait3A_248 = tpu.memref_slice %arg10[%arg1, %dma_wait3A_241, %dma_wait3A_246, %dma_wait3A_247] : memref<16x2x128x128xf32, #tpu.memory_space<vmem_shared>> -> memref<1x1x128x128xf32, #tpu.memory_space<vmem_shared>>
        %dma_wait3A_249 = tpu.memref_squeeze %dma_wait3A_248 : memref<1x1x128x128xf32, #tpu.memory_space<vmem_shared>> -> memref<128x128xf32, #tpu.memory_space<vmem_shared>>
        tpu.wait_dma2 semaphore(%arg18 : memref<!tpu.dma_semaphore, #tpu.memory_space<semaphore_mem>>) src(%arg9 : memref<128x128xf32, #tpu.memory_space<vmem>>) dst(%dma_wait3A_249 : memref<128x128xf32, #tpu.memory_space<vmem_shared>>)
        %sub3A = arith.constant 4 : i32
        %sub3A_250 = arith.subi %add3A_224, %sub3A : i32
        %mul3A_251 = arith.constant 128 : i32
        %mul3A_252 = arith.muli %sub3A_250, %mul3A_251 : i32
        %add3A_253 = arith.addi %mul3A_2, %mul3A_252 : i32
        %dma_start3A_254 = arith.constant 1 : i32
        %dma_start3A_255 = arith.constant 0 : i32
        %dma_start3A_256 = tpu.memref_slice %arg4[%add3A_253, %dma_start3A_255] : memref<819200x128xf32, #tpu.memory_space<hbm>> -> memref<128x128xf32, #tpu.memory_space<hbm>>
        %dma_start3A_257 = arith.constant 0 : i32
        %dma_start3A_258 = arith.constant 0 : i32
        %dma_start3A_259 = tpu.memref_slice %arg10[%arg1, %dma_start3A_254, %dma_start3A_257, %dma_start3A_258] : memref<16x2x128x128xf32, #tpu.memory_space<vmem_shared>> -> memref<1x1x128x128xf32, #tpu.memory_space<vmem_shared>>
        %dma_start3A_260 = tpu.memref_squeeze %dma_start3A_259 : memref<1x1x128x128xf32, #tpu.memory_space<vmem_shared>> -> memref<128x128xf32, #tpu.memory_space<vmem_shared>>
        tpu.enqueue_dma source(%dma_start3A_260 : memref<128x128xf32, #tpu.memory_space<vmem_shared>>) target(%dma_start3A_256 : memref<128x128xf32, #tpu.memory_space<hbm>>) target_semaphore(%arg20 : memref<!tpu.dma_semaphore, #tpu.memory_space<semaphore_mem>>)
      } else {
      }
      %mul3A_230 = arith.constant 128 : i32
      %mul3A_231 = arith.muli %add3A_224, %mul3A_230 : i32
      %dma_start3A_232 = tpu.memref_slice %arg5[%mul3A_231] : memref<25600xi32, #tpu.memory_space<vmem>> -> memref<128xi32, #tpu.memory_space<vmem>>
      %dma_start3A_233 = arith.constant 0 : i32
      %dma_start3A_234 = arith.constant 0 : i32
      %dma_start3A_235 = tpu.memref_slice %arg3[%dma_start3A_233, %dma_start3A_234] : memref<100000x128xf32, #tpu.memory_space<hbm>> -> memref<100000x128xf32, #tpu.memory_space<hbm>>
      tpu.enqueue_indirect_dma source(%dma_start3A_235 : memref<100000x128xf32, #tpu.memory_space<hbm>>) target(%arg9 : memref<128x128xf32, #tpu.memory_space<vmem>>) offsets(%dma_start3A_232 : memref<128xi32, #tpu.memory_space<vmem>>) semaphore(%arg14 : memref<!tpu.dma_semaphore, #tpu.memory_space<semaphore_mem>>)
      %ge3A_236 = arith.constant 3 : i32
      %ge3A_237 = arith.cmpi sge, %add3A_224, %ge3A_236 : i32
      %convert_element_type3A_238 = arith.extui %ge3A_237 : i1 to i32
      %cond3A_239 = arith.constant 0 : i32
      %cond3A_240 = arith.cmpi ne, %convert_element_type3A_238, %cond3A_239 : i32
      scf.if %cond3A_240 {
        %ge3A_241 = arith.constant 5 : i32
        %ge3A_242 = arith.cmpi sge, %add3A_224, %ge3A_241 : i32
        %convert_element_type3A_243 = arith.extui %ge3A_242 : i1 to i32
        %cond3A_244 = arith.constant 0 : i32
        %cond3A_245 = arith.cmpi ne, %convert_element_type3A_243, %cond3A_244 : i32
        scf.if %cond3A_245 {
          %dma_wait3A_261 = arith.constant 0 : i32
          %dma_wait3A_262 = arith.constant 0 : i32
          %dma_wait3A_263 = arith.constant 0 : i32
          %dma_wait3A_264 = tpu.memref_slice %arg4[%dma_wait3A_262, %dma_wait3A_263] : memref<819200x128xf32, #tpu.memory_space<hbm>> -> memref<128x128xf32, #tpu.memory_space<hbm>>
          %dma_wait3A_265 = arith.constant 0 : i32
          %dma_wait3A_266 = arith.constant 0 : i32
          %dma_wait3A_267 = tpu.memref_slice %arg10[%arg1, %dma_wait3A_261, %dma_wait3A_265, %dma_wait3A_266] : memref<16x2x128x128xf32, #tpu.memory_space<vmem_shared>> -> memref<1x1x128x128xf32, #tpu.memory_space<vmem_shared>>
          %dma_wait3A_268 = tpu.memref_squeeze %dma_wait3A_267 : memref<1x1x128x128xf32, #tpu.memory_space<vmem_shared>> -> memref<128x128xf32, #tpu.memory_space<vmem_shared>>
          tpu.wait_dma2 semaphore(%arg19 : memref<!tpu.dma_semaphore, #tpu.memory_space<semaphore_mem>>) src(%dma_wait3A_268 : memref<128x128xf32, #tpu.memory_space<vmem_shared>>) dst(%dma_wait3A_264 : memref<128x128xf32, #tpu.memory_space<hbm>>)
        } else {
        }
        %dma_wait3A_246 = arith.constant 0 : i32
        %dma_wait3A_247 = arith.constant 0 : i32
        %dma_wait3A_248 = tpu.memref_slice %arg4[%dma_wait3A_246, %dma_wait3A_247] : memref<819200x128xf32, #tpu.memory_space<hbm>> -> memref<128x128xf32, #tpu.memory_space<hbm>>
        %dma_wait3A_249 = arith.constant 0 : i32
        %dma_wait3A_250 = arith.constant 0 : i32
        %dma_wait3A_251 = tpu.memref_slice %arg4[%dma_wait3A_249, %dma_wait3A_250] : memref<819200x128xf32, #tpu.memory_space<hbm>> -> memref<128x128xf32, #tpu.memory_space<hbm>>
        tpu.wait_dma2 semaphore(%arg11 : memref<!tpu.dma_semaphore, #tpu.memory_space<semaphore_mem>>) src(%dma_wait3A_251 : memref<128x128xf32, #tpu.memory_space<hbm>>) dst(%arg6 : memref<128x128xf32, #tpu.memory_space<vmem>>)
        %dma_start3A_252 = arith.constant 0 : i32
        %dma_start3A_253 = arith.constant 0 : i32
        %dma_start3A_254 = arith.constant 0 : i32
        %dma_start3A_255 = tpu.memref_slice %arg10[%arg1, %dma_start3A_252, %dma_start3A_253, %dma_start3A_254] : memref<16x2x128x128xf32, #tpu.memory_space<vmem_shared>> -> memref<1x1x128x128xf32, #tpu.memory_space<vmem_shared>>
        %dma_start3A_256 = tpu.memref_squeeze %dma_start3A_255 : memref<1x1x128x128xf32, #tpu.memory_space<vmem_shared>> -> memref<128x128xf32, #tpu.memory_space<vmem_shared>>
        %dma_start3A_257 = arith.constant 0 : i32
        %dma_start3A_258 = arith.constant 0 : i32
        %dma_start3A_259 = tpu.memref_slice %arg10[%arg1, %dma_start3A_252, %dma_start3A_257, %dma_start3A_258] : memref<16x2x128x128xf32, #tpu.memory_space<vmem_shared>> -> memref<1x1x128x128xf32, #tpu.memory_space<vmem_shared>>
        %dma_start3A_260 = tpu.memref_squeeze %dma_start3A_259 : memref<1x1x128x128xf32, #tpu.memory_space<vmem_shared>> -> memref<128x128xf32, #tpu.memory_space<vmem_shared>>
        tpu.enqueue_dma source(%arg6 : memref<128x128xf32, #tpu.memory_space<vmem>>) target(%dma_start3A_260 : memref<128x128xf32, #tpu.memory_space<vmem_shared>>) target_semaphore(%arg15 : memref<!tpu.dma_semaphore, #tpu.memory_space<semaphore_mem>>)
      } else {
      }
    }
    %scan3A_7 = arith.constant 50 : i32
    %dma_wait3A = arith.constant 0 : i32
    %dma_wait3A_8 = arith.constant 0 : i32
    %dma_wait3A_9 = arith.constant 0 : i32
    %dma_wait3A_10 = tpu.memref_slice %arg10[%arg1, %dma_wait3A, %dma_wait3A_8, %dma_wait3A_9] : memref<16x2x128x128xf32, #tpu.memory_space<vmem_shared>> -> memref<1x1x128x128xf32, #tpu.memory_space<vmem_shared>>
    %dma_wait3A_11 = tpu.memref_squeeze %dma_wait3A_10 : memref<1x1x128x128xf32, #tpu.memory_space<vmem_shared>> -> memref<128x128xf32, #tpu.memory_space<vmem_shared>>
    %dma_wait3A_12 = arith.constant 0 : i32
    %dma_wait3A_13 = arith.constant 0 : i32
    %dma_wait3A_14 = tpu.memref_slice %arg10[%arg1, %dma_wait3A, %dma_wait3A_12, %dma_wait3A_13] : memref<16x2x128x128xf32, #tpu.memory_space<vmem_shared>> -> memref<1x1x128x128xf32, #tpu.memory_space<vmem_shared>>
    %dma_wait3A_15 = tpu.memref_squeeze %dma_wait3A_14 : memref<1x1x128x128xf32, #tpu.memory_space<vmem_shared>> -> memref<128x128xf32, #tpu.memory_space<vmem_shared>>
    tpu.wait_dma2 semaphore(%arg15 : memref<!tpu.dma_semaphore, #tpu.memory_space<semaphore_mem>>) src(%arg6 : memref<128x128xf32, #tpu.memory_space<vmem>>) dst(%dma_wait3A_15 : memref<128x128xf32, #tpu.memory_space<vmem_shared>>)
    %add3A_16 = arith.constant 25088 : i32
    %add3A_17 = arith.addi %mul3A_2, %add3A_16 : i32
    %dma_start3A = arith.constant 0 : i32
    %dma_start3A_18 = arith.constant 0 : i32
    %dma_start3A_19 = tpu.memref_slice %arg4[%add3A_17, %dma_start3A_18] : memref<819200x128xf32, #tpu.memory_space<hbm>> -> memref<128x128xf32, #tpu.memory_space<hbm>>
    %dma_start3A_20 = arith.constant 0 : i32
    %dma_start3A_21 = arith.constant 0 : i32
    %dma_start3A_22 = tpu.memref_slice %arg10[%arg1, %dma_start3A, %dma_start3A_20, %dma_start3A_21] : memref<16x2x128x128xf32, #tpu.memory_space<vmem_shared>> -> memref<1x1x128x128xf32, #tpu.memory_space<vmem_shared>>
    %dma_start3A_23 = tpu.memref_squeeze %dma_start3A_22 : memref<1x1x128x128xf32, #tpu.memory_space<vmem_shared>> -> memref<128x128xf32, #tpu.memory_space<vmem_shared>>
    tpu.enqueue_dma source(%dma_start3A_23 : memref<128x128xf32, #tpu.memory_space<vmem_shared>>) target(%dma_start3A_19 : memref<128x128xf32, #tpu.memory_space<hbm>>) target_semaphore(%arg19 : memref<!tpu.dma_semaphore, #tpu.memory_space<semaphore_mem>>)
    %dma_wait3A_24 = arith.constant 1 : i32
    %dma_wait3A_25 = arith.constant 0 : i32
    %dma_wait3A_26 = arith.constant 0 : i32
    %dma_wait3A_27 = tpu.memref_slice %arg4[%dma_wait3A_25, %dma_wait3A_26] : memref<819200x128xf32, #tpu.memory_space<hbm>> -> memref<128x128xf32, #tpu.memory_space<hbm>>
    %dma_wait3A_28 = arith.constant 0 : i32
    %dma_wait3A_29 = arith.constant 0 : i32
    %dma_wait3A_30 = tpu.memref_slice %arg10[%arg1, %dma_wait3A_24, %dma_wait3A_28, %dma_wait3A_29] : memref<16x2x128x128xf32, #tpu.memory_space<vmem_shared>> -> memref<1x1x128x128xf32, #tpu.memory_space<vmem_shared>>
    %dma_wait3A_31 = tpu.memref_squeeze %dma_wait3A_30 : memref<1x1x128x128xf32, #tpu.memory_space<vmem_shared>> -> memref<128x128xf32, #tpu.memory_space<vmem_shared>>
    tpu.wait_dma2 semaphore(%arg20 : memref<!tpu.dma_semaphore, #tpu.memory_space<semaphore_mem>>) src(%dma_wait3A_31 : memref<128x128xf32, #tpu.memory_space<vmem_shared>>) dst(%dma_wait3A_27 : memref<128x128xf32, #tpu.memory_space<hbm>>)
    %dma_wait3A_32 = arith.constant 0 : i32
    %dma_wait3A_33 = arith.constant 0 : i32
    %dma_wait3A_34 = tpu.memref_slice %arg4[%dma_wait3A_32, %dma_wait3A_33] : memref<819200x128xf32, #tpu.memory_space<hbm>> -> memref<128x128xf32, #tpu.memory_space<hbm>>
    %dma_wait3A_35 = arith.constant 0 : i32
    %dma_wait3A_36 = arith.constant 0 : i32
    %dma_wait3A_37 = tpu.memref_slice %arg4[%dma_wait3A_35, %dma_wait3A_36] : memref<819200x128xf32, #tpu.memory_space<hbm>> -> memref<128x128xf32, #tpu.memory_space<hbm>>
    tpu.wait_dma2 semaphore(%arg12 : memref<!tpu.dma_semaphore, #tpu.memory_space<semaphore_mem>>) src(%dma_wait3A_37 : memref<128x128xf32, #tpu.memory_space<hbm>>) dst(%arg7 : memref<128x128xf32, #tpu.memory_space<vmem>>)
    %dma_start3A_38 = arith.constant 1 : i32
    %dma_start3A_39 = arith.constant 0 : i32
    %dma_start3A_40 = arith.constant 0 : i32
    %dma_start3A_41 = tpu.memref_slice %arg10[%arg1, %dma_start3A_38, %dma_start3A_39, %dma_start3A_40] : memref<16x2x128x128xf32, #tpu.memory_space<vmem_shared>> -> memref<1x1x128x128xf32, #tpu.memory_space<vmem_shared>>
    %dma_start3A_42 = tpu.memref_squeeze %dma_start3A_41 : memref<1x1x128x128xf32, #tpu.memory_space<vmem_shared>> -> memref<128x128xf32, #tpu.memory_space<vmem_shared>>
    %dma_start3A_43 = arith.constant 0 : i32
    %dma_start3A_44 = arith.constant 0 : i32
    %dma_start3A_45 = tpu.memref_slice %arg10[%arg1, %dma_start3A_38, %dma_start3A_43, %dma_start3A_44] : memref<16x2x128x128xf32, #tpu.memory_space<vmem_shared>> -> memref<1x1x128x128xf32, #tpu.memory_space<vmem_shared>>
    %dma_start3A_46 = tpu.memref_squeeze %dma_start3A_45 : memref<1x1x128x128xf32, #tpu.memory_space<vmem_shared>> -> memref<128x128xf32, #tpu.memory_space<vmem_shared>>
    tpu.enqueue_dma source(%arg7 : memref<128x128xf32, #tpu.memory_space<vmem>>) target(%dma_start3A_46 : memref<128x128xf32, #tpu.memory_space<vmem_shared>>) target_semaphore(%arg16 : memref<!tpu.dma_semaphore, #tpu.memory_space<semaphore_mem>>)
    %dma_wait3A_47 = arith.constant 1 : i32
    %dma_wait3A_48 = arith.constant 0 : i32
    %dma_wait3A_49 = arith.constant 0 : i32
    %dma_wait3A_50 = tpu.memref_slice %arg10[%arg1, %dma_wait3A_47, %dma_wait3A_48, %dma_wait3A_49] : memref<16x2x128x128xf32, #tpu.memory_space<vmem_shared>> -> memref<1x1x128x128xf32, #tpu.memory_space<vmem_shared>>
    %dma_wait3A_51 = tpu.memref_squeeze %dma_wait3A_50 : memref<1x1x128x128xf32, #tpu.memory_space<vmem_shared>> -> memref<128x128xf32, #tpu.memory_space<vmem_shared>>
    %dma_wait3A_52 = arith.constant 0 : i32
    %dma_wait3A_53 = arith.constant 0 : i32
    %dma_wait3A_54 = tpu.memref_slice %arg10[%arg1, %dma_wait3A_47, %dma_wait3A_52, %dma_wait3A_53] : memref<16x2x128x128xf32, #tpu.memory_space<vmem_shared>> -> memref<1x1x128x128xf32, #tpu.memory_space<vmem_shared>>
    %dma_wait3A_55 = tpu.memref_squeeze %dma_wait3A_54 : memref<1x1x128x128xf32, #tpu.memory_space<vmem_shared>> -> memref<128x128xf32, #tpu.memory_space<vmem_shared>>
    tpu.wait_dma2 semaphore(%arg16 : memref<!tpu.dma_semaphore, #tpu.memory_space<semaphore_mem>>) src(%arg7 : memref<128x128xf32, #tpu.memory_space<vmem>>) dst(%dma_wait3A_55 : memref<128x128xf32, #tpu.memory_space<vmem_shared>>)
    %add3A_56 = arith.constant 25216 : i32
    %add3A_57 = arith.addi %mul3A_2, %add3A_56 : i32
    %dma_start3A_58 = arith.constant 1 : i32
    %dma_start3A_59 = arith.constant 0 : i32
    %dma_start3A_60 = tpu.memref_slice %arg4[%add3A_57, %dma_start3A_59] : memref<819200x128xf32, #tpu.memory_space<hbm>> -> memref<128x128xf32, #tpu.memory_space<hbm>>
    %dma_start3A_61 = arith.constant 0 : i32
    %dma_start3A_62 = arith.constant 0 : i32
    %dma_start3A_63 = tpu.memref_slice %arg10[%arg1, %dma_start3A_58, %dma_start3A_61, %dma_start3A_62] : memref<16x2x128x128xf32, #tpu.memory_space<vmem_shared>> -> memref<1x1x128x128xf32, #tpu.memory_space<vmem_shared>>
    %dma_start3A_64 = tpu.memref_squeeze %dma_start3A_63 : memref<1x1x128x128xf32, #tpu.memory_space<vmem_shared>> -> memref<128x128xf32, #tpu.memory_space<vmem_shared>>
    tpu.enqueue_dma source(%dma_start3A_64 : memref<128x128xf32, #tpu.memory_space<vmem_shared>>) target(%dma_start3A_60 : memref<128x128xf32, #tpu.memory_space<hbm>>) target_semaphore(%arg20 : memref<!tpu.dma_semaphore, #tpu.memory_space<semaphore_mem>>)
    %dma_wait3A_65 = arith.constant 0 : i32
    %dma_wait3A_66 = arith.constant 0 : i32
    %dma_wait3A_67 = arith.constant 0 : i32
    %dma_wait3A_68 = tpu.memref_slice %arg4[%dma_wait3A_66, %dma_wait3A_67] : memref<819200x128xf32, #tpu.memory_space<hbm>> -> memref<128x128xf32, #tpu.memory_space<hbm>>
    %dma_wait3A_69 = arith.constant 0 : i32
    %dma_wait3A_70 = arith.constant 0 : i32
    %dma_wait3A_71 = tpu.memref_slice %arg10[%arg1, %dma_wait3A_65, %dma_wait3A_69, %dma_wait3A_70] : memref<16x2x128x128xf32, #tpu.memory_space<vmem_shared>> -> memref<1x1x128x128xf32, #tpu.memory_space<vmem_shared>>
    %dma_wait3A_72 = tpu.memref_squeeze %dma_wait3A_71 : memref<1x1x128x128xf32, #tpu.memory_space<vmem_shared>> -> memref<128x128xf32, #tpu.memory_space<vmem_shared>>
    tpu.wait_dma2 semaphore(%arg19 : memref<!tpu.dma_semaphore, #tpu.memory_space<semaphore_mem>>) src(%dma_wait3A_72 : memref<128x128xf32, #tpu.memory_space<vmem_shared>>) dst(%dma_wait3A_68 : memref<128x128xf32, #tpu.memory_space<hbm>>)
    %dma_wait3A_73 = arith.constant 0 : i32
    %dma_wait3A_74 = arith.constant 0 : i32
    %dma_wait3A_75 = tpu.memref_slice %arg4[%dma_wait3A_73, %dma_wait3A_74] : memref<819200x128xf32, #tpu.memory_space<hbm>> -> memref<128x128xf32, #tpu.memory_space<hbm>>
    %dma_wait3A_76 = arith.constant 0 : i32
    %dma_wait3A_77 = arith.constant 0 : i32
    %dma_wait3A_78 = tpu.memref_slice %arg4[%dma_wait3A_76, %dma_wait3A_77] : memref<819200x128xf32, #tpu.memory_space<hbm>> -> memref<128x128xf32, #tpu.memory_space<hbm>>
    tpu.wait_dma2 semaphore(%arg13 : memref<!tpu.dma_semaphore, #tpu.memory_space<semaphore_mem>>) src(%dma_wait3A_78 : memref<128x128xf32, #tpu.memory_space<hbm>>) dst(%arg8 : memref<128x128xf32, #tpu.memory_space<vmem>>)
    %dma_start3A_79 = arith.constant 0 : i32
    %dma_start3A_80 = arith.constant 0 : i32
    %dma_start3A_81 = arith.constant 0 : i32
    %dma_start3A_82 = tpu.memref_slice %arg10[%arg1, %dma_start3A_79, %dma_start3A_80, %dma_start3A_81] : memref<16x2x128x128xf32, #tpu.memory_space<vmem_shared>> -> memref<1x1x128x128xf32, #tpu.memory_space<vmem_shared>>
    %dma_start3A_83 = tpu.memref_squeeze %dma_start3A_82 : memref<1x1x128x128xf32, #tpu.memory_space<vmem_shared>> -> memref<128x128xf32, #tpu.memory_space<vmem_shared>>
    %dma_start3A_84 = arith.constant 0 : i32
    %dma_start3A_85 = arith.constant 0 : i32
    %dma_start3A_86 = tpu.memref_slice %arg10[%arg1, %dma_start3A_79, %dma_start3A_84, %dma_start3A_85] : memref<16x2x128x128xf32, #tpu.memory_space<vmem_shared>> -> memref<1x1x128x128xf32, #tpu.memory_space<vmem_shared>>
    %dma_start3A_87 = tpu.memref_squeeze %dma_start3A_86 : memref<1x1x128x128xf32, #tpu.memory_space<vmem_shared>> -> memref<128x128xf32, #tpu.memory_space<vmem_shared>>
    tpu.enqueue_dma source(%arg8 : memref<128x128xf32, #tpu.memory_space<vmem>>) target(%dma_start3A_87 : memref<128x128xf32, #tpu.memory_space<vmem_shared>>) target_semaphore(%arg17 : memref<!tpu.dma_semaphore, #tpu.memory_space<semaphore_mem>>)
    %dma_wait3A_88 = arith.constant 0 : i32
    %dma_wait3A_89 = arith.constant 0 : i32
    %dma_wait3A_90 = arith.constant 0 : i32
    %dma_wait3A_91 = tpu.memref_slice %arg10[%arg1, %dma_wait3A_88, %dma_wait3A_89, %dma_wait3A_90] : memref<16x2x128x128xf32, #tpu.memory_space<vmem_shared>> -> memref<1x1x128x128xf32, #tpu.memory_space<vmem_shared>>
    %dma_wait3A_92 = tpu.memref_squeeze %dma_wait3A_91 : memref<1x1x128x128xf32, #tpu.memory_space<vmem_shared>> -> memref<128x128xf32, #tpu.memory_space<vmem_shared>>
    %dma_wait3A_93 = arith.constant 0 : i32
    %dma_wait3A_94 = arith.constant 0 : i32
    %dma_wait3A_95 = tpu.memref_slice %arg10[%arg1, %dma_wait3A_88, %dma_wait3A_93, %dma_wait3A_94] : memref<16x2x128x128xf32, #tpu.memory_space<vmem_shared>> -> memref<1x1x128x128xf32, #tpu.memory_space<vmem_shared>>
    %dma_wait3A_96 = tpu.memref_squeeze %dma_wait3A_95 : memref<1x1x128x128xf32, #tpu.memory_space<vmem_shared>> -> memref<128x128xf32, #tpu.memory_space<vmem_shared>>
    tpu.wait_dma2 semaphore(%arg17 : memref<!tpu.dma_semaphore, #tpu.memory_space<semaphore_mem>>) src(%arg8 : memref<128x128xf32, #tpu.memory_space<vmem>>) dst(%dma_wait3A_96 : memref<128x128xf32, #tpu.memory_space<vmem_shared>>)
    %add3A_97 = arith.constant 25344 : i32
    %add3A_98 = arith.addi %mul3A_2, %add3A_97 : i32
    %dma_start3A_99 = arith.constant 0 : i32
    %dma_start3A_100 = arith.constant 0 : i32
    %dma_start3A_101 = tpu.memref_slice %arg4[%add3A_98, %dma_start3A_100] : memref<819200x128xf32, #tpu.memory_space<hbm>> -> memref<128x128xf32, #tpu.memory_space<hbm>>
    %dma_start3A_102 = arith.constant 0 : i32
    %dma_start3A_103 = arith.constant 0 : i32
    %dma_start3A_104 = tpu.memref_slice %arg10[%arg1, %dma_start3A_99, %dma_start3A_102, %dma_start3A_103] : memref<16x2x128x128xf32, #tpu.memory_space<vmem_shared>> -> memref<1x1x128x128xf32, #tpu.memory_space<vmem_shared>>
    %dma_start3A_105 = tpu.memref_squeeze %dma_start3A_104 : memref<1x1x128x128xf32, #tpu.memory_space<vmem_shared>> -> memref<128x128xf32, #tpu.memory_space<vmem_shared>>
    tpu.enqueue_dma source(%dma_start3A_105 : memref<128x128xf32, #tpu.memory_space<vmem_shared>>) target(%dma_start3A_101 : memref<128x128xf32, #tpu.memory_space<hbm>>) target_semaphore(%arg19 : memref<!tpu.dma_semaphore, #tpu.memory_space<semaphore_mem>>)
    %dma_wait3A_106 = arith.constant 1 : i32
    %dma_wait3A_107 = arith.constant 0 : i32
    %dma_wait3A_108 = arith.constant 0 : i32
    %dma_wait3A_109 = tpu.memref_slice %arg4[%dma_wait3A_107, %dma_wait3A_108] : memref<819200x128xf32, #tpu.memory_space<hbm>> -> memref<128x128xf32, #tpu.memory_space<hbm>>
    %dma_wait3A_110 = arith.constant 0 : i32
    %dma_wait3A_111 = arith.constant 0 : i32
    %dma_wait3A_112 = tpu.memref_slice %arg10[%arg1, %dma_wait3A_106, %dma_wait3A_110, %dma_wait3A_111] : memref<16x2x128x128xf32, #tpu.memory_space<vmem_shared>> -> memref<1x1x128x128xf32, #tpu.memory_space<vmem_shared>>
    %dma_wait3A_113 = tpu.memref_squeeze %dma_wait3A_112 : memref<1x1x128x128xf32, #tpu.memory_space<vmem_shared>> -> memref<128x128xf32, #tpu.memory_space<vmem_shared>>
    tpu.wait_dma2 semaphore(%arg20 : memref<!tpu.dma_semaphore, #tpu.memory_space<semaphore_mem>>) src(%dma_wait3A_113 : memref<128x128xf32, #tpu.memory_space<vmem_shared>>) dst(%dma_wait3A_109 : memref<128x128xf32, #tpu.memory_space<hbm>>)
    %dma_wait3A_114 = arith.constant 0 : i32
    %dma_wait3A_115 = arith.constant 0 : i32
    %dma_wait3A_116 = tpu.memref_slice %arg4[%dma_wait3A_114, %dma_wait3A_115] : memref<819200x128xf32, #tpu.memory_space<hbm>> -> memref<128x128xf32, #tpu.memory_space<hbm>>
    %dma_wait3A_117 = arith.constant 0 : i32
    %dma_wait3A_118 = arith.constant 0 : i32
    %dma_wait3A_119 = tpu.memref_slice %arg4[%dma_wait3A_117, %dma_wait3A_118] : memref<819200x128xf32, #tpu.memory_space<hbm>> -> memref<128x128xf32, #tpu.memory_space<hbm>>
    tpu.wait_dma2 semaphore(%arg14 : memref<!tpu.dma_semaphore, #tpu.memory_space<semaphore_mem>>) src(%dma_wait3A_119 : memref<128x128xf32, #tpu.memory_space<hbm>>) dst(%arg9 : memref<128x128xf32, #tpu.memory_space<vmem>>)
    %dma_start3A_120 = arith.constant 1 : i32
    %dma_start3A_121 = arith.constant 0 : i32
    %dma_start3A_122 = arith.constant 0 : i32
    %dma_start3A_123 = tpu.memref_slice %arg10[%arg1, %dma_start3A_120, %dma_start3A_121, %dma_start3A_122] : memref<16x2x128x128xf32, #tpu.memory_space<vmem_shared>> -> memref<1x1x128x128xf32, #tpu.memory_space<vmem_shared>>
    %dma_start3A_124 = tpu.memref_squeeze %dma_start3A_123 : memref<1x1x128x128xf32, #tpu.memory_space<vmem_shared>> -> memref<128x128xf32, #tpu.memory_space<vmem_shared>>
    %dma_start3A_125 = arith.constant 0 : i32
    %dma_start3A_126 = arith.constant 0 : i32
    %dma_start3A_127 = tpu.memref_slice %arg10[%arg1, %dma_start3A_120, %dma_start3A_125, %dma_start3A_126] : memref<16x2x128x128xf32, #tpu.memory_space<vmem_shared>> -> memref<1x1x128x128xf32, #tpu.memory_space<vmem_shared>>
    %dma_start3A_128 = tpu.memref_squeeze %dma_start3A_127 : memref<1x1x128x128xf32, #tpu.memory_space<vmem_shared>> -> memref<128x128xf32, #tpu.memory_space<vmem_shared>>
    tpu.enqueue_dma source(%arg9 : memref<128x128xf32, #tpu.memory_space<vmem>>) target(%dma_start3A_128 : memref<128x128xf32, #tpu.memory_space<vmem_shared>>) target_semaphore(%arg18 : memref<!tpu.dma_semaphore, #tpu.memory_space<semaphore_mem>>)
    %dma_wait3A_129 = arith.constant 1 : i32
    %dma_wait3A_130 = arith.constant 0 : i32
    %dma_wait3A_131 = arith.constant 0 : i32
    %dma_wait3A_132 = tpu.memref_slice %arg10[%arg1, %dma_wait3A_129, %dma_wait3A_130, %dma_wait3A_131] : memref<16x2x128x128xf32, #tpu.memory_space<vmem_shared>> -> memref<1x1x128x128xf32, #tpu.memory_space<vmem_shared>>
    %dma_wait3A_133 = tpu.memref_squeeze %dma_wait3A_132 : memref<1x1x128x128xf32, #tpu.memory_space<vmem_shared>> -> memref<128x128xf32, #tpu.memory_space<vmem_shared>>
    %dma_wait3A_134 = arith.constant 0 : i32
    %dma_wait3A_135 = arith.constant 0 : i32
    %dma_wait3A_136 = tpu.memref_slice %arg10[%arg1, %dma_wait3A_129, %dma_wait3A_134, %dma_wait3A_135] : memref<16x2x128x128xf32, #tpu.memory_space<vmem_shared>> -> memref<1x1x128x128xf32, #tpu.memory_space<vmem_shared>>
    %dma_wait3A_137 = tpu.memref_squeeze %dma_wait3A_136 : memref<1x1x128x128xf32, #tpu.memory_space<vmem_shared>> -> memref<128x128xf32, #tpu.memory_space<vmem_shared>>
    tpu.wait_dma2 semaphore(%arg18 : memref<!tpu.dma_semaphore, #tpu.memory_space<semaphore_mem>>) src(%arg9 : memref<128x128xf32, #tpu.memory_space<vmem>>) dst(%dma_wait3A_137 : memref<128x128xf32, #tpu.memory_space<vmem_shared>>)
    %add3A_138 = arith.constant 25472 : i32
    %add3A_139 = arith.addi %mul3A_2, %add3A_138 : i32
    %dma_start3A_140 = arith.constant 1 : i32
    %dma_start3A_141 = arith.constant 0 : i32
    %dma_start3A_142 = tpu.memref_slice %arg4[%add3A_139, %dma_start3A_141] : memref<819200x128xf32, #tpu.memory_space<hbm>> -> memref<128x128xf32, #tpu.memory_space<hbm>>
    %dma_start3A_143 = arith.constant 0 : i32
    %dma_start3A_144 = arith.constant 0 : i32
    %dma_start3A_145 = tpu.memref_slice %arg10[%arg1, %dma_start3A_140, %dma_start3A_143, %dma_start3A_144] : memref<16x2x128x128xf32, #tpu.memory_space<vmem_shared>> -> memref<1x1x128x128xf32, #tpu.memory_space<vmem_shared>>
    %dma_start3A_146 = tpu.memref_squeeze %dma_start3A_145 : memref<1x1x128x128xf32, #tpu.memory_space<vmem_shared>> -> memref<128x128xf32, #tpu.memory_space<vmem_shared>>
    tpu.enqueue_dma source(%dma_start3A_146 : memref<128x128xf32, #tpu.memory_space<vmem_shared>>) target(%dma_start3A_142 : memref<128x128xf32, #tpu.memory_space<hbm>>) target_semaphore(%arg20 : memref<!tpu.dma_semaphore, #tpu.memory_space<semaphore_mem>>)
    %dma_wait3A_147 = arith.constant 0 : i32
    %dma_wait3A_148 = arith.constant 0 : i32
    %dma_wait3A_149 = arith.constant 0 : i32
    %dma_wait3A_150 = tpu.memref_slice %arg4[%dma_wait3A_148, %dma_wait3A_149] : memref<819200x128xf32, #tpu.memory_space<hbm>> -> memref<128x128xf32, #tpu.memory_space<hbm>>
    %dma_wait3A_151 = arith.constant 0 : i32
    %dma_wait3A_152 = arith.constant 0 : i32
    %dma_wait3A_153 = tpu.memref_slice %arg10[%arg1, %dma_wait3A_147, %dma_wait3A_151, %dma_wait3A_152] : memref<16x2x128x128xf32, #tpu.memory_space<vmem_shared>> -> memref<1x1x128x128xf32, #tpu.memory_space<vmem_shared>>
    %dma_wait3A_154 = tpu.memref_squeeze %dma_wait3A_153 : memref<1x1x128x128xf32, #tpu.memory_space<vmem_shared>> -> memref<128x128xf32, #tpu.memory_space<vmem_shared>>
    tpu.wait_dma2 semaphore(%arg19 : memref<!tpu.dma_semaphore, #tpu.memory_space<semaphore_mem>>) src(%dma_wait3A_154 : memref<128x128xf32, #tpu.memory_space<vmem_shared>>) dst(%dma_wait3A_150 : memref<128x128xf32, #tpu.memory_space<hbm>>)
    %dma_wait3A_155 = arith.constant 1 : i32
    %dma_wait3A_156 = arith.constant 0 : i32
    %dma_wait3A_157 = arith.constant 0 : i32
    %dma_wait3A_158 = tpu.memref_slice %arg4[%dma_wait3A_156, %dma_wait3A_157] : memref<819200x128xf32, #tpu.memory_space<hbm>> -> memref<128x128xf32, #tpu.memory_space<hbm>>
    %dma_wait3A_159 = arith.constant 0 : i32
    %dma_wait3A_160 = arith.constant 0 : i32
    %dma_wait3A_161 = tpu.memref_slice %arg10[%arg1, %dma_wait3A_155, %dma_wait3A_159, %dma_wait3A_160] : memref<16x2x128x128xf32, #tpu.memory_space<vmem_shared>> -> memref<1x1x128x128xf32, #tpu.memory_space<vmem_shared>>
    %dma_wait3A_162 = tpu.memref_squeeze %dma_wait3A_161 : memref<1x1x128x128xf32, #tpu.memory_space<vmem_shared>> -> memref<128x128xf32, #tpu.memory_space<vmem_shared>>
    tpu.wait_dma2 semaphore(%arg20 : memref<!tpu.dma_semaphore, #tpu.memory_space<semaphore_mem>>) src(%dma_wait3A_162 : memref<128x128xf32, #tpu.memory_space<vmem_shared>>) dst(%dma_wait3A_158 : memref<128x128xf32, #tpu.memory_space<hbm>>)
    return
  }
}

</mosaic_0001>

<sc_bundles>
// kernel: _sc_gather.3.cloned.1.call-start
scs
__scs_entry_jumppad:
0x0: {  	(pc) =	sbr.rel $0x88, $3  }
0x1: {  	(tag) =	ssettag $0x0;
	lr =	simm.s32 $0x1  }
0x2: {  	[smem:$0x3F9F] =	sst lr;
	_ =	strace $0xD0000000  }
0x3: {  	_ = 	snop  }
0x4: {  	_ = 	snop  }
0x5: {  	_ = 	snop  }
0x6: {  	_ = 	snop  }
0x7: {  	_ = 	snop  }
__scs_overlays_trampoline_lowered:
0x8: {  	[smem:$0x3FAE] =	sst s0  }
0x9: {  	[smem:$0x3FAF] =	sst s1  }
0xa: {  	[smem:$0x3FB0] =	sst s2  }
0xb: {  	[smem:$0x3FB1] =	sst s3  }
0xc: {  	[smem:$0x3FB2] =	sst s4  }
0xd: {  	[smem:$0x3FB3] =	sst s5  }
0xe: {  	[smem:$0x3FB4] =	sst s6  }
0xf: {  	[smem:$0x3FB5] =	sst s7  }
0x10: {  	[smem:$0x3FB6] =	sst s8  }
0x11: {  	[smem:$0x3FB7] =	sst s9;
	s0 =	simm.s32 @!p0 $0x0  }
0x12: {  	s1 =	sld [smem:$0x3F9D];
	s0 =	simm.s32 @p0 $0x1  }
0x13: {  	[smem:$0x3FB8] =	sst s0;
	s0 =	simm.s32 @!p1 $0x0  }
0x14: {  	s2 =	sld [smem:$0x3F9C];
	s0 =	simm.s32 @p1 $0x1  }
0x15: {  	[smem:$0x3FB9] =	sst s0;
	s0 =	simm.s32 @!p2 $0x0  }
0x16: {  	s3 =	sld [smem:$0x3FDB];
	s0 =	simm.s32 @p2 $0x1  }
0x17: {  	s4 =	simm.s32 $0x1BF5;
	[smem:$0x3FBB] =	sst s0  }
0x18: {  	s0 =	sld [smem:$0x3F9E];
	_ =	swait.ge [sflag:s4], $0x0  }
0x19: {  	s7 =	sld [smem:$0x3F9F]  }
0x1a: {  	s8 =	sadd.s32 $0xFFFFE003, lr  }
0x1b: {  	s9 =	sadd.s32 $0xFFFFFEF7, lr;
	s5 =	simm.s32 $0xFFFFFFFF;
	p2 =	slt.u32 s8, $0xFFFFF086  }
0x1c: {  	p1 =	slt.u32 s9, $0xF7A;
	s5 =	simm.s32 @!p2 $0x0  }
0x1d: {  	s5 =	simm.s32 @p1 $0x1;
	p0 =	seq.s32 s7, s2  }
0x1e: {  	s7 =	smul.u32 @!p0 $0xF7A, s2;
	p2 =	seq.s32 @!p0 s5, $0x0  }
0x1f: {  	s9 =	smul.u32 $0xF7A, s1;
	s8 =	simm.s32 @!p0 $0x1BF5;
	p2 =	por !p2, p0  }
0x20: {  	[sflag:s8] =	ssyncset.s32 @!p0 $0xFFFFF086;
	s6 =	sadd.s32 @!p0 s3, s7;
	s7 =	simm.s32 @!p0 $0x108  }
0x21: {  	s3 =	sadd.s32 s3, s9;
	s6 =	sadd.s32 @!p0 $0x88, s6;
	s7 =	simm.s32 @p2 $0x1082  }
0x22: {  	[simem:s7], [sflag:s8] =	dma.local @!p0 [hbm:s6], $0xF7A  }
0x23: {  	s9 =	sor.u32 $0xD0000000, s2;
	s6 =	simm.s32 $0x108;
	_ =	swait.ge @!p0 [sflag:s8], $0x0  }
0x24: {  	s3 =	sadd.s32 $0x88, s3;
	s6 =	simm.s32 @!p1 $0x1082;
	[sflag:s4] =	ssyncset.s32 $0xFFFFF086  }
0x25: {  	[simem:s6], [sflag:s4] =	dma.local [hbm:s3], $0xF7A  }
0x26: {  	[smem:$0x3F9F] =	sst s1;
	(tag) =	ssettag s2;
	_ =	strace s9  }
0x27: {  	s1 =	sld [smem:$0x3FAF]  }
0x28: {  	s2 =	sld [smem:$0x3FB0]  }
0x29: {  	s4 =	sld [smem:$0x3FB2]  }
0x2a: {  	p0 =	seq.s32 s5, $0x0;
	s5 =	sld [smem:$0x3FB3]  }
0x2b: {  	s6 =	sld [smem:$0x3FB4]  }
0x2c: {  	s7 =	sld [smem:$0x3FB5]  }
0x2d: {  	s3 =	simm.s32 $0x108;
	s8 =	sld [smem:$0x3FB6]  }
0x2e: {  	s3 =	simm.s32 @!p0 $0x1082;
	s9 =	sld [smem:$0x3FB7]  }
0x2f: {  	lr =	sadd.s32 s0, s3;
	s0 =	sld [smem:$0x3FAE]  }
0x30: {  	s3 =	sld [smem:$0x3FB1]  }
0x31: {  	[smem:$0x3FBA] =	sst s10  }
0x32: {  	s10 =	sld [smem:$0x3FB8];
	_ =	sdelay $0x3  }
0x33: {  	p0 =	seq.s32 s10, $0x1;
	s10 =	sld [smem:$0x3FBA];
	_ =	sdelay $0x3  }
0x34: {  	[smem:$0x3FBA] =	sst s10  }
0x35: {  	s10 =	sld [smem:$0x3FB9];
	_ =	sdelay $0x3  }
0x36: {  	p1 =	seq.s32 s10, $0x1;
	s10 =	sld [smem:$0x3FBA];
	_ =	sdelay $0x3  }
0x37: {  	[smem:$0x3FBA] =	sst s10  }
0x38: {  	s10 =	sld [smem:$0x3FBB]  }
0x39: {  	_ = 	snop;
	(pc) =	sbr.ind lr, $3  }
0x3a: {  	_ = 	snop  }
0x3b: {  	_ = 	snop  }
0x3c: {  	p2 =	seq.s32 s10, $0x1;
	s10 =	sld [smem:$0x3FBA]  }
0x3d: {  	_ =	shalt  }
0x3e: {  	_ =	shalt  }
0x3f: {  	_ =	shalt  }
0x40: {  	_ =	shalt  }
0x41: {  	_ =	shalt  }
0x42: {  	_ =	shalt  }
0x43: {  	_ =	shalt  }
0x44: {  	_ =	shalt  }
0x45: {  	_ =	shalt  }
0x46: {  	_ =	shalt  }
0x47: {  	_ =	shalt  }
0x48: {  	_ =	shalt  }
0x49: {  	_ =	shalt  }
0x4a: {  	_ =	shalt  }
0x4b: {  	_ =	shalt  }
0x4c: {  	_ =	shalt  }
0x4d: {  	_ =	shalt  }
0x4e: {  	_ =	shalt  }
0x4f: {  	_ =	shalt  }
0x50: {  	_ =	shalt  }
0x51: {  	_ =	shalt  }
0x52: {  	_ =	shalt  }
0x53: {  	_ =	shalt  }
0x54: {  	_ =	shalt  }
0x55: {  	_ =	shalt  }
0x56: {  	_ =	shalt  }
0x57: {  	_ =	shalt  }
0x58: {  	_ =	shalt  }
0x59: {  	_ =	shalt  }
0x5a: {  	_ =	shalt  }
0x5b: {  	_ =	shalt  }
0x5c: {  	_ =	shalt  }
0x5d: {  	_ =	shalt  }
0x5e: {  	_ =	shalt  }
0x5f: {  	_ =	shalt  }
0x60: {  	_ =	shalt  }
0x61: {  	_ =	shalt  }
0x62: {  	_ =	shalt  }
0x63: {  	_ =	shalt  }
0x64: {  	_ =	shalt  }
0x65: {  	_ =	shalt  }
0x66: {  	_ =	shalt  }
0x67: {  	_ =	shalt  }
0x68: {  	_ =	shalt  }
0x69: {  	_ =	shalt  }
0x6a: {  	_ =	shalt  }
0x6b: {  	_ =	shalt  }
0x6c: {  	_ =	shalt  }
0x6d: {  	_ =	shalt  }
0x6e: {  	_ =	shalt  }
0x6f: {  	_ =	shalt  }
0x70: {  	_ =	shalt  }
0x71: {  	_ =	shalt  }
0x72: {  	_ =	shalt  }
0x73: {  	_ =	shalt  }
0x74: {  	_ =	shalt  }
0x75: {  	_ =	shalt  }
0x76: {  	_ =	shalt  }
0x77: {  	_ =	shalt  }
0x78: {  	_ =	shalt  }
0x79: {  	_ =	shalt  }
0x7a: {  	_ =	shalt  }
0x7b: {  	_ =	shalt  }
0x7c: {  	_ =	shalt  }
0x7d: {  	_ =	shalt  }
0x7e: {  	_ =	shalt  }
0x7f: {  	_ =	shalt  }
0x80: {  	_ =	shalt  }
0x81: {  	_ =	shalt  }
0x82: {  	_ =	shalt  }
0x83: {  	_ =	shalt  }
0x84: {  	_ =	shalt  }
0x85: {  	_ =	shalt  }
0x86: {  	_ =	shalt  }
0x87: {  	_ =	shalt  }
.Lfunc_end0:
.L_simem_size_0:
called_computation_lowered:
.L_overlay_start_0:
0x88: {  	s2 =	sld [smem:$0x3FD9]  }
0x89: {  	s3 =	sld [smem:$0x3FFE];
	_ =	sdelay $0x1  }
0x8a: {  	s1 =	srdreg.scid  }
0x8b: {  	s0 =	sand.u32 $0x1, s1  }
0x8c: {  	s18 =	sshll.u32 s0, $0xA;
	s2 =	sadd.s32 s3, s2  }
0x8d: {  	s2 =	sadd.s32 s2, s18  }
0x8e: {  	[smem:$0x3FC6] =	sst s2  }
0x8f: {  	_ = 	snop  }
0x90: {  	s2 =	sld [smem:$0x3FC9]  }
0x91: {  	s19 =	sld [smem:$0x3FC8]  }
0x92: {  	s4 =	sld [smem:$0x3FD0];
	(tm) =	ssettm $0x1  }
0x93: {  	s5 =	sld [smem:$0x3FFB];
	_ =	sdelay $0x3  }
0x94: {  	_ =	strace s5  }
0x95: {  	s5 =	sld [smem:$0x3FFC];
	_ =	sdelay $0x3  }
0x96: {  	_ =	strace s5  }
0x97: {  	s5 =	sld [smem:$0x3FFD];
	_ =	sdelay $0x3  }
0x98: {  	_ =	strace s5  }
0x99: {  	_ =	strace $0x8FFFFFFF  }
0x9a: {  	s20 =	sld [smem:$0x3FDB];
	_ =	sdelay $0x1  }
0x9b: {  	s6 =	simm.s32 $_scs_section_size  }
0x9c: {  	s7 =	simm.s32 $_size__tile_overlayer_lowered;
	s8 =	simm.s32 $_tile_overlayer_lowered  }
0x9d: {  	s23 =	simm.s32 $0x1BFF;
	s22 =	sshll.u32 s8, $0x1;
	s5 =	sadd.s32 s6, s20  }
0x9e: {  	s9 =	simm.s32 $0x0;
	s21 =	sshll.u32 s7, $0x1;
	s7 =	sadd.s32 s22, s5  }
0x9f: {  	[timem:s9], [sflag:s23] =	dma.local [hbm:s7], s21  }
0xa0: {  	_ =	swait.ge [sflag:s23], s21  }
0xa1: {  	s6 =	ssub.s32 $0x0, s21;
	[sflag:s23] =	ssyncset.done $0x0  }
0xa2: {  	[sflag:s23] =	ssyncadd.s32 s6;
	_ =	sdelay $0x1  }
0xa3: {  	s24 =	simm.s32 $0x1B8B  }
0xa4: {  	_ =	swait.ge [sflag:s24], $0x1  }
0xa5: {  	[sflag:s24] =	ssyncset.done $0x0  }
0xa6: {  	s25 =	simm.s32 $0x1B8E;
	[sflag:s24] =	ssyncadd.s32 $0xFFFFFFFF  }
0xa7: {  	s26 =	simm.s32 $execute0_lowered;
	[smem:$0x3FD2] =	sst s25  }
0xa8: {  	s6 =	sshll.u32 s26, $0x1;
	_ =	strace $0x80000046;
	[dreg:$0x1] =	wrdreg $0xFFFFFFFF  }
0xa9: {  	s28 =	simm.s32 $_size_execute0_lowered;
	s5 =	sadd.s32 s5, s6;
	[dreg:$0x0] =	wrdreg $0x0  }
0xaa: {  	s6 =	sshll.u32 s28, $0x1;
	[dreg:$0x2] =	wrdreg s5  }
0xab: {  	[dreg:$0x3] =	wrdreg s6  }
0xac: {  	[dreg:$0x4] =	wrdreg $0xC0  }
0xad: {  	_ =	task [dreg:s9], $0x5FFFF  }
0xae: {  	[dreg:$0x1] =	wrdreg $0xFFFFFFFF  }
0xaf: {  	[dreg:$0x0] =	wrdreg $0x60  }
0xb0: {  	[dreg:$0x2] =	wrdreg s2  }
0xb1: {  	[dreg:$0x3] =	wrdreg s19  }
0xb2: {  	[dreg:$0x4] =	wrdreg s4  }
0xb3: {  	[dreg:$0x5] =	wrdreg $0x164000  }
0xb4: {  	[dreg:$0x6] =	wrdreg $0x9  }
0xb5: {  	_ =	task.clear_ibuf [dreg:s9], $0x7FFFF;
	_ =	strace $0x90000046  }
0xb6: {  	s29 =	simm.s32 $0x9;
	_ =	strace $0x80000048  }
0xb7: {  	_ =	swait.ge [sflag:s29], $0x1  }
0xb8: {  	[sflag:s29] =	ssyncadd.s32 $0xFFFFFFFF  }
0xb9: {  	_ =	strace $0x90000048  }
0xba: {  	_ =	sfence  }
0xbb: {  	s30 =	sld [smem:$0x0];
	_ =	sdelay $0x2  }
0xbc: {  	s31 =	sshll.u32 s1, $0xD;
	s1 =	sshrl.u32 s1, $0x2  }
0xbd: {  	s3 =	sand.u32 $0x4000, s31;
	s1 =	sadd.s32 s1, s30  }
0xbe: {  	s0 =	sor.u32 s3, s0;
	s1 =	sshll.u32 s1, $0x11  }
0xbf: {  	s0 =	sor.u32 s1, s0  }
0xc0: {  	s0 =	sadd.s32 $0x8F2B, s0  }
0xc1: {  	[sflag:s0] =	ssyncadd.remote.s32 $0x1  }
0xc2: {  	_ =	sfence.sel $0xFFFF  }
0xc3: {  	[dreg:$0x0] =	wrdreg $0xFFFFFFFF;
	(pc) =	sbr.abs _section_cstart, $3  }
0xc4: {  	[dreg:$0x1] =	wrdreg $0xFFFFFFFF  }
0xc5: {  	_ =	task.clear_ibuf [dreg:s9], $0x2FFFF;
	_ =	strace $0x9FFFFFFF  }
0xc6: {  	(tm) =	ssettm $0x7FFFFFFF  }
0xc7: {  	_ =	shalt  }
tec
execute0_lowered:
.L_overlay_start_1:
0x0: {  	(tag) =	ssettag $0x1  }
0x1: {  	s0 =	rddreg [dreg:$0x0]  }
0x2: {  	s1 =	rddreg [dreg:$0x1]  }
0x3: {  	s2 =	rddreg [dreg:$0x2];
	s3 =	srdreg.scid  }
0x4: {  	s10 =	stileid.u32;
	s4 =	rddreg [dreg:$0x3];
	s6 =	simm.s32 $0x0  }
0x5: {  	s12 =	simm.s32 $0xB;
	s13 =	simm.s32 $0x80;
	s14 =	simm.s32 $0x6400  }
0x6: {  	s15 =	simm.s32 $0xA400;
	s17 =	simm.s32 $0xE400;
	s28 =	simm.s32 $0x9  }
0x7: {  	s29 =	simm.s32 $0x3;
	s30 =	simm.s32 $0x7;
	s31 =	simm.s32 $0xA  }
0x8: {  	s3 =	sand.u32 $0x1, s3;
	s5 =	sshll.u32 s10, $0x1;
	s22 =	smul.u32 $0xC8000, s10  }
0x9: {  	s5 =	sor.u32 s3, s5;
	s19 =	ssub.s32 $0x2, s3;
	s3 =	smul.u32 $0x64000, s3  }
0xa: {  	s16 =	simm.s32 $0x0;
	[smem:$0x7FF] =	sst s6;
	s7 =	smul.u32 $0xC80, s5  }
0xb: {  	s20 =	sshll.u32 s10, $0xF;
	_ =	strace $0x80000047;
	s9 =	smul.u32 $0x320000, s5  }
0xc: {  	s8 =	sshrl.u32 s19, $0x1;
	s5 =	sadd.s32 s20, s4;
	s20 =	simm.s32 $0x1  }
0xd: {  	s8 =	ssub.s32 s19, s8;
	s0 =	sadd.s32 s0, s7;
	s21 =	sshrl.u32 s9, $0x3  }
0xe: {  	s6 =	sadd.s32 $0x4000, s5;
	[dreg:$0x6] =	wrdreg s0;
	s0 =	sadd.s32 s2, s21  }
0xf: {  	s19 =	simm.s32 $0x12400;
	s11 =	smax.u32 s8, $0x1;
	s23 =	sadd.s32 $0x62000, s0  }
0x10: {  	s2 =	sadd.s32 s22, s2;
	s24 =	sadd.s32 $0x62800, s0;
	[dreg:$0x7] =	wrdreg s23  }
0x11: {  	s21 =	sshll.u32 s10, $0x6;
	s25 =	sadd.s32 $0x63000, s0;
	[dreg:$0x8] =	wrdreg s24  }
0x12: {  	s22 =	simm.s32 $0x5;
	s0 =	sadd.s32 $0x63800, s0;
	[dreg:$0x9] =	wrdreg s25  }
0x13: {  	s26 =	sadd.s32 s3, s2;
	s2 =	simm.s32 $0x4;
	[dreg:$0xa] =	wrdreg s0  }
0x14: {  	[dreg:$0x5] =	wrdreg s26;
	s23 =	sor.u32 $0x1C09, s21;
	s24 =	sshrl.u32 s5, $0x3  }
0x15: {  	s25 =	simm.s32 $0x2;
	s26 =	simm.s32 $0x6;
	s0 =	simm.s32 $0x8  }
.LBB2_1:
0x16: {  	s3 =	simm.s32 $0x0;
	s4 =	rddreg [dreg:$0x6]  }
0x17: {  	[tilespmem:s3], [sflag:$0xB] =	stream.linear.gather [hbm4b:s4+s3], $0x6400, $0x38;
	[tilespmem:$0x1E400] =	vst v63  }
0x18: {  	_ =	swait.ge [sflag:s12], $0x6400  }
0x19: {  	[sflag:s12] =	ssyncset.done $0x0  }
0x1a: {  	[sflag:s12] =	ssyncadd.s32 $0xFFFF9C00  }
0x1b: {  	[tilespmem:s14], [sflag:$0x1] =	stream.indirect.gather [hbm4b:s1+s13], $0x80, s3, s13, $0xb8;
	[tilespmem:$0x1E400] =	vst v63  }
0x1c: {  	_ = 	snop  }
0x1d: {  	[tilespmem:s15], [sflag:$0x2] =	stream.indirect.gather [hbm4b:s1+s13], $0x80, s13, s13, $0xb8;
	[tilespmem:$0x1E400] =	vst v63  }
0x1e: {  	s4 =	simm.s32 $0x100  }
0x1f: {  	[tilespmem:s17], [sflag:$0x3] =	stream.indirect.gather [hbm4b:s1+s13], $0x80, s4, s13, $0xb8;
	[tilespmem:$0x1E400] =	vst v63  }
0x20: {  	s7 =	simm.s32 $0x180  }
0x21: {  	[tilespmem:s19], [sflag:$0x4] =	stream.indirect.gather [hbm4b:s1+s13], $0x80, s7, s13, $0xb8;
	[tilespmem:$0x1E400] =	vst v63  }
0x22: {  	_ =	swait.ge [sflag:s20], $0x4000  }
0x23: {  	[sflag:s20] =	ssyncset.done $0x0  }
0x24: {  	[sflag:s20] =	ssyncadd.s32 $0xFFFFC000  }
0x25: {  	[spmem:s5] =	stream.linear.scatter [tilespmem:s14], [sflag:$0x5], $0x4000, $0x38;
	[tilespmem:$0x1E400] =	vst v63  }
0x26: {  	p0 =	por $0x1, $0x1;
	_ =	swait.ge [sflag:s22], $0x4000  }
0x27: {  	s9 =	simm.s32 $0x200;
	s8 =	rddreg [dreg:$0x5];
	[sflag:s22] =	ssyncset.done $0x0  }
0x28: {  	s3 =	simm.s32 @!p0 $0xA;
	[sflag:s22] =	ssyncadd.s32 $0xFFFFC000;
	s7 =	sadd.s32 $0x0, s8  }
0x29: {  	[hbm:s7], [sflag:s23] =	dma.local [spmem:s24], $0x800  }
0x2a: {  	[tilespmem:s14], [sflag:$0x1] =	stream.indirect.gather [hbm4b:s1+s13], $0x80, s9, s13, $0xb8;
	[tilespmem:$0x1E400] =	vst v63  }
0x2b: {  	_ =	swait.ge @!p0 [sflag:s3], $0x800  }
0x2c: {  	[sflag:s3] =	ssyncset.done @!p0 $0x0  }
0x2d: {  	[sflag:s3] =	ssyncadd.s32 @!p0 $0xFFFFF800  }
0x2e: {  	_ =	swait.ge [sflag:s25], $0x4000  }
0x2f: {  	[sflag:s25] =	ssyncset.done $0x0  }
0x30: {  	[sflag:s25] =	ssyncadd.s32 $0xFFFFC000  }
0x31: {  	[spmem:s6] =	stream.linear.scatter [tilespmem:s15], [sflag:$0x6], $0x4000, $0x38;
	[tilespmem:$0x1E400] =	vst v63  }
0x32: {  	_ =	swait.ge [sflag:s26], $0x4000  }
0x33: {  	s18 =	sshrl.u32 s6, $0x3;
	s8 =	simm.s32 $0x280;
	[sflag:s26] =	ssyncset.done $0x0  }
0x34: {  	s10 =	sadd.s32 $0x800, s7;
	s3 =	sor.u32 $0x1C0A, s21;
	[sflag:s26] =	ssyncadd.s32 $0xFFFFC000  }
0x35: {  	[hbm:s10], [sflag:s3] =	dma.local [spmem:s18], $0x800  }
0x36: {  	[tilespmem:s15], [sflag:$0x2] =	stream.indirect.gather [hbm4b:s1+s13], $0x80, s8, s13, $0xb8;
	[tilespmem:$0x1E400] =	vst v63  }
0x37: {  	_ =	swait.ge [sflag:s28], $0x800  }
0x38: {  	[sflag:s28] =	ssyncset.done $0x0  }
0x39: {  	[sflag:s28] =	ssyncadd.s32 $0xFFFFF800  }
0x3a: {  	_ =	swait.ge [sflag:s29], $0x4000  }
0x3b: {  	[sflag:s29] =	ssyncset.done $0x0  }
0x3c: {  	[sflag:s29] =	ssyncadd.s32 $0xFFFFC000  }
0x3d: {  	[spmem:s5] =	stream.linear.scatter [tilespmem:s17], [sflag:$0x7], $0x4000, $0x38;
	[tilespmem:$0x1E400] =	vst v63  }
0x3e: {  	_ =	swait.ge [sflag:s30], $0x4000  }
0x3f: {  	[sflag:s30] =	ssyncset.done $0x0  }
0x40: {  	s9 =	sadd.s32 $0x1000, s7;
	s10 =	simm.s32 $0x300;
	[sflag:s30] =	ssyncadd.s32 $0xFFFFC000  }
0x41: {  	[hbm:s9], [sflag:s23] =	dma.local [spmem:s24], $0x800  }
0x42: {  	[tilespmem:s17], [sflag:$0x3] =	stream.indirect.gather [hbm4b:s1+s13], $0x80, s10, s13, $0xb8;
	[tilespmem:$0x1E400] =	vst v63  }
0x43: {  	_ =	swait.ge [sflag:s31], $0x800  }
0x44: {  	[sflag:s31] =	ssyncset.done $0x0  }
0x45: {  	[sflag:s31] =	ssyncadd.s32 $0xFFFFF800  }
0x46: {  	_ =	swait.ge [sflag:s2], $0x4000  }
0x47: {  	[sflag:s2] =	ssyncset.done $0x0  }
0x48: {  	[sflag:s2] =	ssyncadd.s32 $0xFFFFC000  }
0x49: {  	[spmem:s6] =	stream.linear.scatter [tilespmem:s19], [sflag:$0x8], $0x4000, $0x38;
	[tilespmem:$0x1E400] =	vst v63  }
0x4a: {  	_ =	swait.ge [sflag:s0], $0x4000  }
0x4b: {  	[sflag:s0] =	ssyncset.done $0x0  }
0x4c: {  	s4 =	simm.s32 $0x380;
	s7 =	sadd.s32 $0x1800, s7;
	[sflag:s0] =	ssyncadd.s32 $0xFFFFC000  }
0x4d: {  	[hbm:s7], [sflag:s3] =	dma.local [spmem:s18], $0x800  }
0x4e: {  	[tilespmem:s19], [sflag:$0x4] =	stream.indirect.gather [hbm4b:s1+s13], $0x80, s4, s13, $0xb8;
	[tilespmem:$0x1E400] =	vst v63  }
0x4f: {  	_ =	swait.ge [sflag:s28], $0x800  }
0x50: {  	[sflag:s28] =	ssyncset.done $0x0  }
0x51: {  	[sflag:s28] =	ssyncadd.s32 $0xFFFFF800  }
0x52: {  	_ =	swait.ge [sflag:s20], $0x4000  }
0x53: {  	s7 =	simm.s32 $0x2000;
	[sflag:s20] =	ssyncset.done $0x0  }
.LBB2_2:
0x54: {  	[sflag:s20] =	ssyncadd.s32 $0xFFFFC000;
	s4 =	sadd.s32 $0x200, s4  }
0x55: {  	[spmem:s5] =	stream.linear.scatter [tilespmem:s14], [sflag:$0x5], $0x4000, $0x38;
	[tilespmem:$0x1E400] =	vst v63  }
0x56: {  	s8 =	smov.u32 s7;
	s10 =	sadd.s32 $0xFFFFFE80, s4;
	_ =	swait.ge [sflag:s22], $0x4000  }
0x57: {  	p1 =	seq.s32 s8, $0x0;
	[sflag:s22] =	ssyncset.done $0x0;
	s9 =	rddreg [dreg:$0x5]  }
0x58: {  	[sflag:s22] =	ssyncadd.s32 $0xFFFFC000;
	s8 =	sadd.s32 s8, s9;
	s9 =	simm.s32 @!p1 $0xA  }
0x59: {  	[hbm:s8], [sflag:s23] =	dma.local [spmem:s24], $0x800  }
0x5a: {  	[tilespmem:s14], [sflag:$0x1] =	stream.indirect.gather [hbm4b:s1+s13], $0x80, s10, s13, $0xb8;
	[tilespmem:$0x1E400] =	vst v63  }
0x5b: {  	_ =	swait.ge @!p1 [sflag:s9], $0x800  }
0x5c: {  	[sflag:s9] =	ssyncset.done @!p1 $0x0  }
0x5d: {  	[sflag:s9] =	ssyncadd.s32 @!p1 $0xFFFFF800  }
0x5e: {  	_ =	swait.ge [sflag:s25], $0x4000  }
0x5f: {  	[sflag:s25] =	ssyncset.done $0x0  }
0x60: {  	[sflag:s25] =	ssyncadd.s32 $0xFFFFC000  }
0x61: {  	[spmem:s6] =	stream.linear.scatter [tilespmem:s15], [sflag:$0x6], $0x4000, $0x38;
	[tilespmem:$0x1E400] =	vst v63  }
0x62: {  	_ =	swait.ge [sflag:s26], $0x4000  }
0x63: {  	[sflag:s26] =	ssyncset.done $0x0  }
0x64: {  	s10 =	sadd.s32 $0xFFFFFF00, s4;
	s9 =	sadd.s32 $0x800, s8;
	[sflag:s26] =	ssyncadd.s32 $0xFFFFC000  }
0x65: {  	[hbm:s9], [sflag:s3] =	dma.local [spmem:s18], $0x800  }
0x66: {  	[tilespmem:s15], [sflag:$0x2] =	stream.indirect.gather [hbm4b:s1+s13], $0x80, s10, s13, $0xb8;
	[tilespmem:$0x1E400] =	vst v63  }
0x67: {  	_ =	swait.ge [sflag:s28], $0x800  }
0x68: {  	[sflag:s28] =	ssyncset.done $0x0  }
0x69: {  	[sflag:s28] =	ssyncadd.s32 $0xFFFFF800  }
0x6a: {  	_ =	swait.ge [sflag:s29], $0x4000  }
0x6b: {  	[sflag:s29] =	ssyncset.done $0x0  }
0x6c: {  	[sflag:s29] =	ssyncadd.s32 $0xFFFFC000  }
0x6d: {  	[spmem:s5] =	stream.linear.scatter [tilespmem:s17], [sflag:$0x7], $0x4000, $0x38;
	[tilespmem:$0x1E400] =	vst v63  }
0x6e: {  	_ =	swait.ge [sflag:s30], $0x4000  }
0x6f: {  	[sflag:s30] =	ssyncset.done $0x0  }
0x70: {  	s9 =	sadd.s32 $0x1000, s8;
	s10 =	sadd.s32 $0xFFFFFF80, s4;
	[sflag:s30] =	ssyncadd.s32 $0xFFFFC000  }
0x71: {  	[hbm:s9], [sflag:s23] =	dma.local [spmem:s24], $0x800  }
0x72: {  	[tilespmem:s17], [sflag:$0x3] =	stream.indirect.gather [hbm4b:s1+s13], $0x80, s10, s13, $0xb8;
	[tilespmem:$0x1E400] =	vst v63  }
0x73: {  	_ =	swait.ge [sflag:s31], $0x800  }
0x74: {  	[sflag:s31] =	ssyncset.done $0x0  }
0x75: {  	[sflag:s31] =	ssyncadd.s32 $0xFFFFF800  }
0x76: {  	_ =	swait.ge [sflag:s2], $0x4000  }
0x77: {  	[sflag:s2] =	ssyncset.done $0x0  }
0x78: {  	[sflag:s2] =	ssyncadd.s32 $0xFFFFC000  }
0x79: {  	[spmem:s6] =	stream.linear.scatter [tilespmem:s19], [sflag:$0x8], $0x4000, $0x38;
	[tilespmem:$0x1E400] =	vst v63  }
0x7a: {  	_ =	swait.ge [sflag:s0], $0x4000  }
0x7b: {  	s7 =	sadd.s32 $0x2000, s7;
	[sflag:s0] =	ssyncset.done $0x0  }
0x7c: {  	p0 =	sne.s32 s7, $0x62000;
	s8 =	sadd.s32 $0x1800, s8;
	[sflag:s0] =	ssyncadd.s32 $0xFFFFC000  }
0x7d: {  	[hbm:s8], [sflag:s3] =	dma.local [spmem:s18], $0x800  }
0x7e: {  	[tilespmem:s19], [sflag:$0x4] =	stream.indirect.gather [hbm4b:s1+s13], $0x80, s4, s13, $0xb8;
	[tilespmem:$0x1E400] =	vst v63  }
.Ltmp0:
0x7f: {  	_ =	swait.ge [sflag:s28], $0x800;
	(pc) =	sbr.rel @p0 .LBB2_2-.Ltmp0, $4  }
0x80: {  	[sflag:s28] =	ssyncset.done $0x0  }
0x81: {  	[sflag:s28] =	ssyncadd.s32 $0xFFFFF800  }
0x82: {  	_ =	swait.ge [sflag:s20], $0x4000  }
0x83: {  	[sflag:s20] =	ssyncset.done $0x0  }
0x84: {  	[sflag:s20] =	ssyncadd.s32 $0xFFFFC000  }
0x85: {  	[spmem:s5] =	stream.linear.scatter [tilespmem:s14], [sflag:$0x5], $0x4000, $0x38;
	[tilespmem:$0x1E400] =	vst v63  }
0x86: {  	_ =	swait.ge [sflag:s22], $0x4000  }
0x87: {  	[sflag:s22] =	ssyncset.done $0x0  }
0x88: {  	s4 =	rddreg [dreg:$0x7];
	[sflag:s22] =	ssyncadd.s32 $0xFFFFC000  }
0x89: {  	[hbm:s4], [sflag:s23] =	dma.local [spmem:s24], $0x800  }
0x8a: {  	_ =	swait.ge [sflag:s31], $0x800  }
0x8b: {  	[sflag:s31] =	ssyncset.done $0x0  }
0x8c: {  	[sflag:s31] =	ssyncadd.s32 $0xFFFFF800  }
0x8d: {  	_ =	swait.ge [sflag:s25], $0x4000  }
0x8e: {  	[sflag:s25] =	ssyncset.done $0x0  }
0x8f: {  	[sflag:s25] =	ssyncadd.s32 $0xFFFFC000  }
0x90: {  	[spmem:s6] =	stream.linear.scatter [tilespmem:s15], [sflag:$0x6], $0x4000, $0x38;
	[tilespmem:$0x1E400] =	vst v63  }
0x91: {  	_ =	swait.ge [sflag:s26], $0x4000  }
0x92: {  	[sflag:s26] =	ssyncset.done $0x0  }
0x93: {  	s8 =	rddreg [dreg:$0x8];
	[sflag:s26] =	ssyncadd.s32 $0xFFFFC000  }
0x94: {  	[hbm:s8], [sflag:s3] =	dma.local [spmem:s18], $0x800  }
0x95: {  	_ =	swait.ge [sflag:s28], $0x800  }
0x96: {  	[sflag:s28] =	ssyncset.done $0x0  }
0x97: {  	[sflag:s28] =	ssyncadd.s32 $0xFFFFF800  }
0x98: {  	_ =	swait.ge [sflag:s29], $0x4000  }
0x99: {  	[sflag:s29] =	ssyncset.done $0x0  }
0x9a: {  	[sflag:s29] =	ssyncadd.s32 $0xFFFFC000  }
0x9b: {  	[spmem:s5] =	stream.linear.scatter [tilespmem:s17], [sflag:$0x7], $0x4000, $0x38;
	[tilespmem:$0x1E400] =	vst v63  }
0x9c: {  	_ =	swait.ge [sflag:s30], $0x4000  }
0x9d: {  	[sflag:s30] =	ssyncset.done $0x0  }
0x9e: {  	s9 =	rddreg [dreg:$0x9];
	[sflag:s30] =	ssyncadd.s32 $0xFFFFC000  }
0x9f: {  	[hbm:s9], [sflag:s23] =	dma.local [spmem:s24], $0x800  }
0xa0: {  	_ =	swait.ge [sflag:s31], $0x800  }
0xa1: {  	[sflag:s31] =	ssyncset.done $0x0  }
0xa2: {  	[sflag:s31] =	ssyncadd.s32 $0xFFFFF800  }
0xa3: {  	_ =	swait.ge [sflag:s2], $0x4000  }
0xa4: {  	[sflag:s2] =	ssyncset.done $0x0  }
0xa5: {  	[sflag:s2] =	ssyncadd.s32 $0xFFFFC000  }
0xa6: {  	[spmem:s6] =	stream.linear.scatter [tilespmem:s19], [sflag:$0x8], $0x4000, $0x38;
	[tilespmem:$0x1E400] =	vst v63  }
0xa7: {  	_ =	swait.ge [sflag:s0], $0x4000  }
0xa8: {  	[sflag:s0] =	ssyncset.done $0x0  }
0xa9: {  	s16 =	sadd.s32 $0x1, s16;
	s10 =	rddreg [dreg:$0xa];
	[sflag:s0] =	ssyncadd.s32 $0xFFFFC000  }
0xaa: {  	[hbm:s10], [sflag:s3] =	dma.local [spmem:s18], $0x800  }
0xab: {  	p0 =	sne.s32 s16, s11;
	_ =	swait.ge [sflag:s28], $0x800  }
.Ltmp1:
0xac: {  	[sflag:s28] =	ssyncset.done $0x0;
	(pc) =	sbr.rel @p0 .LBB2_1-.Ltmp1, $4  }
0xad: {  	[sflag:s28] =	ssyncadd.s32 $0xFFFFF800  }
0xae: {  	_ =	swait.ge [sflag:s31], $0x800  }
0xaf: {  	[sflag:s31] =	ssyncset.done $0x0  }
0xb0: {  	[sflag:s31] =	ssyncadd.s32 $0xFFFFF800  }
0xb1: {  	_ =	sfence.sel $0x180000  }
0xb2: {  	[bflag:$0x0] =	sbarrier.arrive $0xFFFF  }
0xb3: {  	_ =	strace $0x90000047  }
0xb4: {  	s0 =	stileid.u32;
	[bflag:$0x2] =	sbarrier.arrive $0xFFFF  }
0xb5: {  	p0 =	sne.s32 s0, $0x0;
	s0 =	rddreg [dreg:$0x4]  }
0xb6: {  	s0 =	sadd.s32 @!p0 $0x100000, s0  }
0xb7: {  	[sflag:s0] =	ssyncadd.tile.s32 @!p0 $0x1;
	_ =	shalt  }
.Lfunc_end2:
_tile_overlayer_lowered:
.L_overlay_start_2:
0xb8: {  	(tag) =	ssettag $0x2  }
0xb9: {  	s0 =	rddreg [dreg:$0x0];
	s2 =	stileid.u32  }
0xba: {  	s1 =	rddreg [dreg:$0x1];
	p0 =	sne.s32 s2, $0x0  }
0xbb: {  	s3 =	rddreg [dreg:$0x2];
	[bflag:$0x3] =	sbarrier.arrive $0xFFFF;
	s2 =	simm.s32 @!p0 $0x1C0B  }
0xbc: {  	[timem:s3], [sflag:s2] =	dma.local @!p0 [hbm:s0], s1  }
0xbd: {  	s0 =	simm.s32 @!p0 $0xB  }
0xbe: {  	_ =	swait.ge @!p0 [sflag:s0], s1  }
0xbf: {  	s1 =	ssub.s32 @!p0 $0x0, s1;
	[sflag:s0] =	ssyncset.done @!p0 $0x0  }
0xc0: {  	[sflag:s0] =	ssyncadd.s32 @!p0 s1  }
0xc1: {  	[bflag:$0x3] =	sbarrier.arrive $0xFFFF  }
0xc2: {  	_ =	shalt  }

</sc_bundles>
